<compile_context>
chip_gen: v7x
topology: tpu7x:2x2x1
jax: 0.10.2.dev20260603
libtpu: 0.0.44.dev20260713+nightly
codegen_flags: <defaults>
</compile_context>

<pallas_src>
import functools

import jax
import jax.numpy as jnp
from jax import lax
from jax.experimental import pallas as pl
from jax.experimental.pallas import tpu as pltpu
from jax.experimental.pallas import tpu_sc as plsc

N = 10000
E = 160000
D = 128
H = 128
DE = 4
OUT = 3

NC = 2
NS = 16
NW = NC * NS

W = 128
EPAD = 163840
PER_W = EPAD // NW
PAD = EPAD - E
DUMMY = 624
NSEG = N + DUMMY


def _ln(x):
    m = jnp.mean(x, axis=-1, keepdims=True)
    v = jnp.mean((x - m) * (x - m), axis=-1, keepdims=True)
    return (x - m) * lax.rsqrt(v + 1e-5)


def _swish(x):
    return x * jax.nn.sigmoid(x)


def _bdot(a, b):
    return jnp.dot(a.astype(jnp.bfloat16), b.astype(jnp.bfloat16),
                   preferred_element_type=jnp.float32)



def _proj_body(rn_ref, pn_ref, wb_ref, wc_ref, sp_ref, rp_ref):
    sp_ref[...] = _bdot(rn_ref[...], wb_ref[...])
    rp_ref[...] = _bdot(pn_ref[...], wc_ref[...])


def _node_proj(rn, pn, wu1b, wu1c):
    tile = 2000
    grid = N // tile
    return pl.pallas_call(
        _proj_body,
        grid=(grid,),
        in_specs=[
            pl.BlockSpec((tile, D), lambda i: (i, 0)),
            pl.BlockSpec((tile, D), lambda i: (i, 0)),
            pl.BlockSpec((D, H), lambda i: (0, 0)),
            pl.BlockSpec((D, H), lambda i: (0, 0)),
        ],
        out_specs=[
            pl.BlockSpec((tile, H), lambda i: (i, 0)),
            pl.BlockSpec((tile, H), lambda i: (i, 0)),
        ],
        out_shape=[
            jax.ShapeDtypeStruct((N, H), jnp.float32),
            jax.ShapeDtypeStruct((N, H), jnp.float32),
        ],
        compiler_params=pltpu.CompilerParams(
            dimension_semantics=("parallel",)),
    )(rn, pn, wu1b, wu1c)



def _gather_body(st_hbm, rt_hbm, si_hbm, ri_hbm, so_hbm, ro_hbm,
                 idx_s0, idx_r0, rows_s0, rows_r0, sem_s0, sem_r0,
                 idx_s1, idx_r1, rows_s1, rows_r1, sem_s1, sem_r1):
    wid = lax.axis_index("s") * NC + lax.axis_index("c")
    base = wid * PER_W

    def start(off, idx_s, idx_r, rows_s, rows_r, sem_s, sem_r):
        pltpu.sync_copy(si_hbm.at[pl.ds(off, W)], idx_s)
        pltpu.sync_copy(ri_hbm.at[pl.ds(off, W)], idx_r)
        pltpu.async_copy(st_hbm.at[idx_s], rows_s, sem_s)
        pltpu.async_copy(rt_hbm.at[idx_r], rows_r, sem_r)

    def drain(off, idx_s, idx_r, rows_s, rows_r, sem_s, sem_r):
        pltpu.make_async_copy(st_hbm.at[idx_s], rows_s, sem_s).wait()
        pltpu.make_async_copy(rt_hbm.at[idx_r], rows_r, sem_r).wait()
        pltpu.sync_copy(rows_s, so_hbm.at[pl.ds(off, W)])
        pltpu.sync_copy(rows_r, ro_hbm.at[pl.ds(off, W)])

    b0 = (idx_s0, idx_r0, rows_s0, rows_r0, sem_s0, sem_r0)
    b1 = (idx_s1, idx_r1, rows_s1, rows_r1, sem_s1, sem_r1)

    start(base, *b0)

    @pl.loop(0, PER_W - 2 * W, step=2 * W)
    def _(i):
        start(base + i + W, *b1)
        drain(base + i, *b0)
        start(base + i + 2 * W, *b0)
        drain(base + i + W, *b1)

    start(base + PER_W - W, *b1)
    drain(base + PER_W - 2 * W, *b0)
    drain(base + PER_W - W, *b1)


def _sc_gather(sndp_t, rcvp_t, senders_p, receivers_g):
    mesh = plsc.VectorSubcoreMesh(core_axis_name="c", subcore_axis_name="s")
    buf = [
        pltpu.VMEM((W,), jnp.int32),
        pltpu.VMEM((W,), jnp.int32),
        pltpu.VMEM((W, H), jnp.float32),
        pltpu.VMEM((W, H), jnp.float32),
        pltpu.SemaphoreType.DMA,
        pltpu.SemaphoreType.DMA,
    ]
    f = pl.kernel(
        _gather_body,
        out_type=[
            jax.ShapeDtypeStruct((EPAD, H), jnp.float32),
            jax.ShapeDtypeStruct((EPAD, H), jnp.float32),
        ],
        mesh=mesh,
        scratch_types=buf + buf,
    )
    return f(sndp_t, rcvp_t, senders_p, receivers_g)



def _count_body(rs_hbm, zcnt_hbm, cnt_out, idx_c, ones_v, cnt_sh):
    cid = lax.axis_index("c")
    sid = lax.axis_index("s")
    wid = sid * NC + cid
    base = wid * PER_W
    rows = NSEG // NS

    @pl.loop(0, W)
    def _(i):
        @pl.loop(0, D, step=16)
        def _(j):
            ones_v[i, pl.ds(j, 16)] = jnp.full((16,), 1.0, jnp.float32)

    pltpu.sync_copy(zcnt_hbm.at[pl.ds(sid * rows, rows)],
                    cnt_sh.at[pl.ds(sid * rows, rows)])
    plsc.subcore_barrier()

    @pl.loop(0, PER_W, step=W)
    def _(i):
        pltpu.sync_copy(rs_hbm.at[pl.ds(base + i, W)], idx_c)
        pltpu.sync_copy(ones_v, cnt_sh.at[idx_c], add=True)

    plsc.subcore_barrier()
    pltpu.sync_copy(cnt_sh.at[pl.ds(sid * rows, rows)],
                    cnt_out.at[cid].at[pl.ds(sid * rows, rows)])


def _sc_count(receivers_s, zcnt):
    mesh = plsc.VectorSubcoreMesh(core_axis_name="c", subcore_axis_name="s")
    f = pl.kernel(
        _count_body,
        out_type=jax.ShapeDtypeStruct((NC, NSEG, D), jnp.float32),
        mesh=mesh,
        scratch_types=[
            pltpu.VMEM((W,), jnp.int32),
            pltpu.VMEM((W, D), jnp.float32),
            pltpu.VMEM_SHARED((NSEG, D), jnp.float32),
        ],
    )
    return f(receivers_s, zcnt)



def _edge_body(ef_ref, sp_ref, rp_ref, we1_ref, be1_ref, we2_ref, be2_ref,
               wu1a_ref, bu1_ref, wu2_ref, bu2_ref, out_ref):
    x = ef_ref[...]
    h1 = jnp.dot(x, we1_ref[...], preferred_element_type=jnp.float32)
    h1 = _swish(h1 + be1_ref[...])
    e0 = _bdot(h1, we2_ref[...])
    e0 = _ln(e0 + be2_ref[...])
    pre = _bdot(e0, wu1a_ref[...])
    pre = _swish(pre + sp_ref[...] + rp_ref[...] + bu1_ref[...])
    u = _bdot(pre, wu2_ref[...])
    out_ref[...] = e0 + _ln(u + bu2_ref[...])


def _edge_mlp(ef_p, sndp, rcvp, we1, be1, we2, be2, wu1a, bu1, wu2, bu2):
    tile = 1024
    grid = EPAD // tile
    full = lambda i: (0, 0)
    return pl.pallas_call(
        _edge_body,
        grid=(grid,),
        in_specs=[
            pl.BlockSpec((tile, DE), lambda i: (i, 0)),
            pl.BlockSpec((tile, H), lambda i: (i, 0)),
            pl.BlockSpec((tile, H), lambda i: (i, 0)),
            pl.BlockSpec((DE, H), full),
            pl.BlockSpec((1, H), full),
            pl.BlockSpec((H, D), full),
            pl.BlockSpec((1, D), full),
            pl.BlockSpec((D, H), full),
            pl.BlockSpec((1, H), full),
            pl.BlockSpec((H, D), full),
            pl.BlockSpec((1, D), full),
        ],
        out_specs=pl.BlockSpec((tile, D), lambda i: (i, 0)),
        out_shape=jax.ShapeDtypeStruct((EPAD, D), jnp.float32),
        compiler_params=pltpu.CompilerParams(
            dimension_semantics=("parallel",)),
    )(ef_p, sndp, rcvp, we1, be1, we2, be2, wu1a, bu1, wu2, bu2)



def _scatter_body(vals_hbm, ridx_hbm, zseg_hbm, seg_out,
                  idx_v0, vals_v0, sem0, idx_v1, vals_v1, sem1, seg_sh):
    cid = lax.axis_index("c")
    sid = lax.axis_index("s")
    wid = sid * NC + cid
    base = wid * PER_W
    rows = NSEG // NS

    pltpu.sync_copy(zseg_hbm.at[pl.ds(sid * rows, rows)],
                    seg_sh.at[pl.ds(sid * rows, rows)])
    plsc.subcore_barrier()

    def start(off, idx_v, vals_v, sem):
        pltpu.sync_copy(ridx_hbm.at[pl.ds(off, W)], idx_v)
        pltpu.async_copy(vals_hbm.at[pl.ds(off, W)], vals_v, sem)

    def drain(idx_v, vals_v, sem):
        pltpu.make_async_copy(vals_hbm.at[pl.ds(0, W)], vals_v, sem).wait()
        pltpu.sync_copy(vals_v, seg_sh.at[idx_v], add=True)

    b0 = (idx_v0, vals_v0, sem0)
    b1 = (idx_v1, vals_v1, sem1)

    start(base, *b0)

    @pl.loop(0, PER_W - 2 * W, step=2 * W)
    def _(i):
        start(base + i + W, *b1)
        drain(*b0)
        start(base + i + 2 * W, *b0)
        drain(*b1)

    start(base + PER_W - W, *b1)
    drain(*b0)
    drain(*b1)

    plsc.subcore_barrier()

    pltpu.sync_copy(seg_sh.at[pl.ds(sid * rows, rows)],
                    seg_out.at[cid].at[pl.ds(sid * rows, rows)])


def _sc_scatter(vals, receivers_s, zseg):
    mesh = plsc.VectorSubcoreMesh(core_axis_name="c", subcore_axis_name="s")
    buf = [
        pltpu.VMEM((W,), jnp.int32),
        pltpu.VMEM((W, D), jnp.float32),
        pltpu.SemaphoreType.DMA,
    ]
    f = pl.kernel(
        _scatter_body,
        out_type=jax.ShapeDtypeStruct((NC, NSEG, D), jnp.float32),
        mesh=mesh,
        scratch_types=buf + buf + [pltpu.VMEM_SHARED((NSEG, D), jnp.float32)],
    )
    return f(vals, receivers_s, zseg)



def _node_body(pn_ref, seg_ref, cnt_ref, wn1a_ref, wn1b_ref, bn1_ref,
               wn2_ref, bn2_ref, wo1_ref, bo1_ref, wo2_ref, bo2_ref,
               out_ref):
    pn = pn_ref[...]
    seg = seg_ref[0] + seg_ref[1]
    cnt = cnt_ref[0] + cnt_ref[1]
    agg = seg / jnp.maximum(cnt, 1.0)
    pre = _bdot(pn, wn1a_ref[...]) + _bdot(agg, wn1b_ref[...])
    h = _swish(pre + bn1_ref[...])
    u = _bdot(h, wn2_ref[...])
    node = pn + _ln(u + bn2_ref[...])
    h2 = _swish(_bdot(node, wo1_ref[...]) + bo1_ref[...])
    out_ref[...] = _bdot(h2, wo2_ref[...]) + bo2_ref[...]


def _node_mlp(pn, seg_parts, cnt_parts, wn1a, wn1b, bn1, wn2, bn2,
              wo1, bo1, wo2, bo2):
    tile = 2000
    grid = N // tile
    full = lambda i: (0, 0)
    return pl.pallas_call(
        _node_body,
        grid=(grid,),
        in_specs=[
            pl.BlockSpec((tile, D), lambda i: (i, 0)),
            pl.BlockSpec((NC, tile, D), lambda i: (0, i, 0)),
            pl.BlockSpec((NC, tile, D), lambda i: (0, i, 0)),
            pl.BlockSpec((D, H), full),
            pl.BlockSpec((D, H), full),
            pl.BlockSpec((1, H), full),
            pl.BlockSpec((H, D), full),
            pl.BlockSpec((1, D), full),
            pl.BlockSpec((D, H), full),
            pl.BlockSpec((1, H), full),
            pl.BlockSpec((H, OUT), full),
            pl.BlockSpec((1, OUT), full),
        ],
        out_specs=pl.BlockSpec((tile, OUT), lambda i: (i, 0)),
        out_shape=jax.ShapeDtypeStruct((N, OUT), jnp.float32),
        compiler_params=pltpu.CompilerParams(
            dimension_semantics=("parallel",)),
    )(pn, seg_parts, cnt_parts, wn1a, wn1b, bn1, wn2, bn2,
      wo1, bo1, wo2, bo2)



def kernel(rnode_features, pnode_features, edge_features, senders, receivers,
           We1, be1, We2, be2, Wu1, bu1, Wu2, bu2,
           Wn1, bn1, Wn2, bn2, Wo1, bo1, Wo2, bo2):
    rn = rnode_features.reshape(N, D)
    pn = pnode_features.reshape(N, D)
    ef = edge_features.astype(jnp.float32)

    pad_g = (jnp.arange(PAD, dtype=jnp.int32) * 37) % N
    pad_s = N + (jnp.arange(PAD, dtype=jnp.int32) % DUMMY)
    senders_p = jnp.concatenate([senders, pad_g])
    receivers_g = jnp.concatenate([receivers, pad_g])
    receivers_s = jnp.concatenate([receivers, pad_s])
    ef_p = jnp.zeros((EPAD, DE), jnp.float32).at[:E].set(ef)

    wu1a, wu1b, wu1c = Wu1[:D], Wu1[D:2 * D], Wu1[2 * D:]
    wn1a, wn1b = Wn1[:D], Wn1[D:]
    r2 = lambda b: b.reshape(1, -1)

    zseg = jnp.zeros((NSEG, D), jnp.float32)
    sndp_t, rcvp_t = _node_proj(rn, pn, wu1b, wu1c)
    sndp, rcvp = _sc_gather(sndp_t, rcvp_t, senders_p, receivers_g)
    e1 = _edge_mlp(ef_p, sndp, rcvp, We1, r2(be1), We2, r2(be2),
                   wu1a, r2(bu1), Wu2, r2(bu2))
    cnt_parts = _sc_count(receivers_s, zseg)
    seg_parts = _sc_scatter(e1, receivers_s, zseg)
    out = _node_mlp(pn, seg_parts, cnt_parts, wn1a, wn1b, r2(bn1),
                    Wn2, r2(bn2), Wo1, r2(bo1), Wo2, r2(bo2))
    return out.reshape(N, 1, OUT)

# --- scband reference (transcript-rebuilt; emitter-appended) ---
"""Pipeline reference for scband-decoder-8830452760739 (READ-ONLY COPY).

The authoritative reference and input builder live on the scoring server;
editing this copy changes nothing except your own understanding.
"""

import jax, jax.numpy as jnp
import numpy as np

N = 10000
E = 160000
B = 1
D = 128
DE = 4
H = 128
OUT = 3


def _ln(x):
    m = jnp.mean(x, axis=-1, keepdims=True)
    v = jnp.var(x, axis=-1, keepdims=True)
    return (x - m) * jax.lax.rsqrt(v + 1e-5)


def _mlp(x, W1, b1, W2, b2):
    return jax.nn.swish(x @ W1 + b1) @ W2 + b2


def setup_inputs(seed: int = 0) -> dict:
    key = jax.random.key(seed)
    ks = jax.random.split(key, 16)

    def w(k, fi, fo):
        return jax.random.normal(k, (fi, fo), dtype=jnp.float32) * (1.0 / np.sqrt(fi))

    inp = {}
    inp["rnode_features"] = jax.random.normal(ks[0], (N, B, D), dtype=jnp.float32)
    inp["pnode_features"] = jax.random.normal(ks[1], (N, B, D), dtype=jnp.float32)
    inp["edge_features"] = jax.random.normal(ks[2], (E, DE), dtype=jnp.float32)
    inp["senders"] = jax.random.randint(ks[3], (E,), 0, N, dtype=jnp.int32)
    inp["receivers"] = jax.random.randint(ks[4], (E,), 0, N, dtype=jnp.int32)
    # edge embedding MLP (r2p edge_latent_size=128)
    inp["We1"] = w(ks[5], DE, H)
    inp["be1"] = jnp.zeros((H,), jnp.float32)
    inp["We2"] = w(ks[6], H, D)
    inp["be2"] = jnp.zeros((D,), jnp.float32)
    # edge update MLP: [edge_latent, sender rnode, receiver pnode] -> edge_latent
    inp["Wu1"] = w(ks[7], 3 * D, H)
    inp["bu1"] = jnp.zeros((H,), jnp.float32)
    inp["Wu2"] = w(ks[8], H, D)
    inp["bu2"] = jnp.zeros((D,), jnp.float32)
    # pnode update MLP: [pnode, segment_mean(edges)] -> node_latent
    inp["Wn1"] = w(ks[9], 2 * D, H)
    inp["bn1"] = jnp.zeros((H,), jnp.float32)
    inp["Wn2"] = w(ks[10], H, D)
    inp["bn2"] = jnp.zeros((D,), jnp.float32)
    # pnode output MLP -> num_outputs (no layer norm on output head)
    inp["Wo1"] = w(ks[11], D, H)
    inp["bo1"] = jnp.zeros((H,), jnp.float32)
    inp["Wo2"] = w(ks[12], H, OUT)
    inp["bo2"] = jnp.zeros((OUT,), jnp.float32)
    return inp


def reference(rnode_features, pnode_features, edge_features, senders, receivers,
              We1, be1, We2, be2, Wu1, bu1, Wu2, bu2,
              Wn1, bn1, Wn2, bn2, Wo1, bo1, Wo2, bo2):
    # Decoder.__call__ with variable_mesh=False, p_edge_masking=0 (key=None), tau=None
    bsz = rnode_features.shape[1]
    # _add_batch_second_axis on edge features
    ef = edge_features.astype(pnode_features.dtype)
    ef = ef[:, None, :] * jnp.ones((bsz, 1), dtype=ef.dtype)  # [E, B, DE]
    # DeepTypedGraphNet: embed_edges=True -> edge embedder MLP + LayerNorm
    edge_lat = _ln(_mlp(ef, We1, be1, We2, be2))  # [E, B, D]
    # one message passing step: edge update with sender(rnode)/receiver(pnode) gather
    snd = jnp.take(rnode_features, senders, axis=0)  # [E, B, D]
    rcv = jnp.take(pnode_features, receivers, axis=0)  # [E, B, D]
    edge_lat = edge_lat + _ln(_mlp(jnp.concatenate([edge_lat, snd, rcv], axis=-1), Wu1, bu1, Wu2, bu2))
    # pnode update: segment_mean aggregation of incoming edge latents
    npn = pnode_features.shape[0]
    seg = jax.ops.segment_sum(edge_lat, receivers, num_segments=npn)  # [Np, B, D]
    cnt = jax.ops.segment_sum(jnp.ones((edge_lat.shape[0], 1, 1), jnp.float32), receivers, num_segments=npn)
    agg = seg / jnp.maximum(cnt, 1.0)
    pn = pnode_features + _ln(_mlp(jnp.concatenate([pnode_features, agg], axis=-1), Wn1, bn1, Wn2, bn2))
    # node_output_size=dict(pnodes=num_outputs): output MLP, no norm
    out = _mlp(pn, Wo1, bo1, Wo2, bo2)  # [Np, B, OUT]
    return out

if __name__ == "__main__":
    import jax
    _d = setup_inputs()
    print(jax.jit(kernel)(*tuple(_d.values())))

</pallas_src>

<mosaic_0001>
#map = affine_map<(d0, d1) -> (0)>
#map1 = affine_map<(d0, d1) -> (0, 0)>
#map2 = affine_map<(d0, d1) -> (0, 0, 0)>
module attributes {stable_mosaic.version = 14 : i64} {
  func.func @_count_body(%arg0: i32, %arg1: i32, %arg2: memref<163840xi32, #tpu.memory_space<hbm>>, %arg3: memref<10624x128xf32, #tpu.memory_space<hbm>>, %arg4: memref<2x10624x128xf32, #tpu.memory_space<hbm>>, %arg5: memref<128xi32, #tpu.memory_space<vmem>>, %arg6: memref<128x128xf32, #tpu.memory_space<vmem>>, %arg7: memref<10624x128xf32, #tpu.memory_space<vmem_shared>>) attributes {dimension_semantics = [#tpu.dimension_semantics<core_parallel>, #tpu.dimension_semantics<subcore_parallel>], iteration_bounds = array<i64: 2, 16>, scalar_prefetch = 0 : i64, scratch_operands = 3 : i64, tpu.core_type = #tpu.core_type<sc_vector_subcore>, window_params = [{transform_indices = #map}, {transform_indices = #map1}, {transform_indices = #map2}]} {
    %mul3A = arith.constant 2 : i32
    %mul3A_0 = arith.muli %arg1, %mul3A : i32
    %add3A = arith.addi %mul3A_0, %arg0 : i32
    %mul3A_1 = arith.constant 5120 : i32
    %mul3A_2 = arith.muli %add3A, %mul3A_1 : i32
    %scan3A = arith.constant 0 : i32
    %scan3A_3 = arith.constant 128 : i32
    %scan3A_4 = arith.addi %scan3A, %scan3A_3 : i32
    %scan3A_5 = arith.constant 1 : i32
    scf.for %scan3A_21 = %scan3A to %scan3A_4 step %scan3A_5  : i32 {
      %mul3A_22 = arith.constant 1 : i32
      %mul3A_23 = arith.muli %scan3A_21, %mul3A_22 : i32
      %add3A_24 = arith.constant 0 : i32
      %add3A_25 = arith.addi %add3A_24, %mul3A_23 : i32
      %scan3A_26 = arith.constant 0 : i32
      %scan3A_27 = arith.constant 8 : i32
      %scan3A_28 = arith.addi %scan3A_26, %scan3A_27 : i32
      %scan3A_29 = arith.constant 1 : i32
      scf.for %scan3A_31 = %scan3A_26 to %scan3A_28 step %scan3A_29  : i32 {
        %mul3A_32 = arith.constant 16 : i32
        %mul3A_33 = arith.muli %scan3A_31, %mul3A_32 : i32
        %add3A_34 = arith.constant 0 : i32
        %add3A_35 = arith.addi %add3A_34, %mul3A_33 : i32
        %broadcast_in_dim3A = arith.constant 1.000000e+00 : f32
        %broadcast_in_dim3A_36 = vector.broadcast %broadcast_in_dim3A : f32 to vector<16xf32>
        %swap3A = arith.index_cast %add3A_25 : i32 to index
        %swap3A_37 = arith.index_cast %add3A_35 : i32 to index
        %swap3A_38 = tpu.vector_load %arg6[%swap3A, %swap3A_37] {strides = array<i32>} : memref<128x128xf32, #tpu.memory_space<vmem>>, vector<1x16xf32>,
        %swap3A_39 = vector.shape_cast %swap3A_38 : vector<1x16xf32> to vector<16xf32>
        %swap3A_40 = vector.shape_cast %broadcast_in_dim3A_36 : vector<16xf32> to vector<1x16xf32>
        tpu.vector_store %arg6[%swap3A, %swap3A_37], %swap3A_40 {strides = array<i32>} : memref<128x128xf32, #tpu.memory_space<vmem>>, vector<1x16xf32>,
      }
      %scan3A_30 = arith.constant 8 : i32
    }
    %scan3A_6 = arith.constant 128 : i32
    %mul3A_7 = arith.constant 664 : i32
    %mul3A_8 = arith.muli %arg1, %mul3A_7 : i32
    %mul3A_9 = arith.constant 664 : i32
    %mul3A_10 = arith.muli %arg1, %mul3A_9 : i32
    "tpu.region"() ({
      %run_scoped3A = tpu.sem_alloc : memref<!tpu.dma_semaphore, #tpu.memory_space<semaphore_mem>>
      %dma_start3A = arith.constant 0 : i32
      %dma_start3A_21 = tpu.memref_slice %arg7[%mul3A_10, %dma_start3A] : memref<10624x128xf32, #tpu.memory_space<vmem_shared>> -> memref<664x128xf32, #tpu.memory_space<vmem_shared>>
      %dma_start3A_22 = arith.constant 0 : i32
      %dma_start3A_23 = tpu.memref_slice %arg3[%mul3A_8, %dma_start3A_22] : memref<10624x128xf32, #tpu.memory_space<hbm>> -> memref<664x128xf32, #tpu.memory_space<hbm>>
      tpu.enqueue_dma source(%dma_start3A_23 : memref<664x128xf32, #tpu.memory_space<hbm>>) target(%dma_start3A_21 : memref<664x128xf32, #tpu.memory_space<vmem_shared>>) target_semaphore(%run_scoped3A : memref<!tpu.dma_semaphore, #tpu.memory_space<semaphore_mem>>)
      %dma_wait3A = arith.constant 0 : i32
      %dma_wait3A_24 = tpu.memref_slice %arg7[%mul3A_10, %dma_wait3A] : memref<10624x128xf32, #tpu.memory_space<vmem_shared>> -> memref<664x128xf32, #tpu.memory_space<vmem_shared>>
      %dma_wait3A_25 = arith.constant 0 : i32
      %dma_wait3A_26 = tpu.memref_slice %arg3[%mul3A_8, %dma_wait3A_25] : memref<10624x128xf32, #tpu.memory_space<hbm>> -> memref<664x128xf32, #tpu.memory_space<hbm>>
      tpu.wait_dma2 semaphore(%run_scoped3A : memref<!tpu.dma_semaphore, #tpu.memory_space<semaphore_mem>>) src(%dma_wait3A_26 : memref<664x128xf32, #tpu.memory_space<hbm>>) dst(%dma_wait3A_24 : memref<664x128xf32, #tpu.memory_space<vmem_shared>>)
      tpu.yield
    }) : () -> ()
    %barrier3A = arith.constant 0 : index
    tpu.barrier barrier_id(%barrier3A)
    %scan3A_11 = arith.constant 0 : i32
    %scan3A_12 = arith.constant 40 : i32
    %scan3A_13 = arith.addi %scan3A_11, %scan3A_12 : i32
    %scan3A_14 = arith.constant 1 : i32
    scf.for %scan3A_21 = %scan3A_11 to %scan3A_13 step %scan3A_14  : i32 {
      %mul3A_22 = arith.constant 128 : i32
      %mul3A_23 = arith.muli %scan3A_21, %mul3A_22 : i32
      %add3A_24 = arith.constant 0 : i32
      %add3A_25 = arith.addi %add3A_24, %mul3A_23 : i32
      %add3A_26 = arith.addi %mul3A_2, %add3A_25 : i32
      "tpu.region"() ({
        %run_scoped3A = tpu.sem_alloc : memref<!tpu.dma_semaphore, #tpu.memory_space<semaphore_mem>>
        %dma_start3A = tpu.memref_slice %arg2[%add3A_26] : memref<163840xi32, #tpu.memory_space<hbm>> -> memref<128xi32, #tpu.memory_space<hbm>>
        %dma_start3A_27 = tpu.memref_slice %arg2[%add3A_26] : memref<163840xi32, #tpu.memory_space<hbm>> -> memref<128xi32, #tpu.memory_space<hbm>>
        tpu.enqueue_dma source(%dma_start3A_27 : memref<128xi32, #tpu.memory_space<hbm>>) target(%arg5 : memref<128xi32, #tpu.memory_space<vmem>>) target_semaphore(%run_scoped3A : memref<!tpu.dma_semaphore, #tpu.memory_space<semaphore_mem>>)
        %dma_wait3A = tpu.memref_slice %arg2[%add3A_26] : memref<163840xi32, #tpu.memory_space<hbm>> -> memref<128xi32, #tpu.memory_space<hbm>>
        %dma_wait3A_28 = tpu.memref_slice %arg2[%add3A_26] : memref<163840xi32, #tpu.memory_space<hbm>> -> memref<128xi32, #tpu.memory_space<hbm>>
        tpu.wait_dma2 semaphore(%run_scoped3A : memref<!tpu.dma_semaphore, #tpu.memory_space<semaphore_mem>>) src(%dma_wait3A_28 : memref<128xi32, #tpu.memory_space<hbm>>) dst(%arg5 : memref<128xi32, #tpu.memory_space<vmem>>)
        tpu.yield
      }) : () -> ()
      "tpu.region"() ({
        %run_scoped3A = tpu.sem_alloc : memref<!tpu.dma_semaphore, #tpu.memory_space<semaphore_mem>>
        %dma_start3A = arith.constant 0 : i32
        %dma_start3A_27 = arith.constant 0 : i32
        %dma_start3A_28 = tpu.memref_slice %arg7[%dma_start3A, %dma_start3A_27] : memref<10624x128xf32, #tpu.memory_space<vmem_shared>> -> memref<10624x128xf32, #tpu.memory_space<vmem_shared>>
        tpu.enqueue_indirect_dma source(%arg6 : memref<128x128xf32, #tpu.memory_space<vmem>>) target(%dma_start3A_28 : memref<10624x128xf32, #tpu.memory_space<vmem_shared>>) offsets(%arg5 : memref<128xi32, #tpu.memory_space<vmem>>) semaphore(%run_scoped3A : memref<!tpu.dma_semaphore, #tpu.memory_space<semaphore_mem>>) {add = true}
        %dma_wait3A = arith.constant 0 : i32
        %dma_wait3A_29 = arith.constant 0 : i32
        %dma_wait3A_30 = tpu.memref_slice %arg7[%dma_wait3A, %dma_wait3A_29] : memref<10624x128xf32, #tpu.memory_space<vmem_shared>> -> memref<10624x128xf32, #tpu.memory_space<vmem_shared>>
        tpu.wait_indirect_dma semaphore(%run_scoped3A : memref<!tpu.dma_semaphore, #tpu.memory_space<semaphore_mem>>) src(%arg6 : memref<128x128xf32, #tpu.memory_space<vmem>>) dst(%dma_wait3A_30 : memref<10624x128xf32, #tpu.memory_space<vmem_shared>>)
        tpu.yield
      }) : () -> ()
    }
    %scan3A_15 = arith.constant 40 : i32
    %barrier3A_16 = arith.constant 0 : index
    tpu.barrier barrier_id(%barrier3A_16)
    %mul3A_17 = arith.constant 664 : i32
    %mul3A_18 = arith.muli %arg1, %mul3A_17 : i32
    %mul3A_19 = arith.constant 664 : i32
    %mul3A_20 = arith.muli %arg1, %mul3A_19 : i32
    "tpu.region"() ({
      %run_scoped3A = tpu.sem_alloc : memref<!tpu.dma_semaphore, #tpu.memory_space<semaphore_mem>>
      %dma_start3A = arith.constant 0 : i32
      %dma_start3A_21 = arith.constant 0 : i32
      %dma_start3A_22 = tpu.memref_slice %arg4[%arg0, %dma_start3A, %dma_start3A_21] : memref<2x10624x128xf32, #tpu.memory_space<hbm>> -> memref<1x10624x128xf32, #tpu.memory_space<hbm>>
      %dma_start3A_23 = tpu.memref_squeeze %dma_start3A_22 : memref<1x10624x128xf32, #tpu.memory_space<hbm>> -> memref<10624x128xf32, #tpu.memory_space<hbm>>
      %dma_start3A_24 = arith.constant 0 : i32
      %dma_start3A_25 = tpu.memref_slice %dma_start3A_23[%mul3A_20, %dma_start3A_24] : memref<10624x128xf32, #tpu.memory_space<hbm>> -> memref<664x128xf32, #tpu.memory_space<hbm>>
      %dma_start3A_26 = arith.constant 0 : i32
      %dma_start3A_27 = tpu.memref_slice %arg7[%mul3A_18, %dma_start3A_26] : memref<10624x128xf32, #tpu.memory_space<vmem_shared>> -> memref<664x128xf32, #tpu.memory_space<vmem_shared>>
      tpu.enqueue_dma source(%dma_start3A_27 : memref<664x128xf32, #tpu.memory_space<vmem_shared>>) target(%dma_start3A_25 : memref<664x128xf32, #tpu.memory_space<hbm>>) target_semaphore(%run_scoped3A : memref<!tpu.dma_semaphore, #tpu.memory_space<semaphore_mem>>)
      %dma_wait3A = arith.constant 0 : i32
      %dma_wait3A_28 = arith.constant 0 : i32
      %dma_wait3A_29 = tpu.memref_slice %arg4[%arg0, %dma_wait3A, %dma_wait3A_28] : memref<2x10624x128xf32, #tpu.memory_space<hbm>> -> memref<1x10624x128xf32, #tpu.memory_space<hbm>>
      %dma_wait3A_30 = tpu.memref_squeeze %dma_wait3A_29 : memref<1x10624x128xf32, #tpu.memory_space<hbm>> -> memref<10624x128xf32, #tpu.memory_space<hbm>>
      %dma_wait3A_31 = arith.constant 0 : i32
      %dma_wait3A_32 = tpu.memref_slice %dma_wait3A_30[%mul3A_20, %dma_wait3A_31] : memref<10624x128xf32, #tpu.memory_space<hbm>> -> memref<664x128xf32, #tpu.memory_space<hbm>>
      %dma_wait3A_33 = arith.constant 0 : i32
      %dma_wait3A_34 = tpu.memref_slice %arg7[%mul3A_18, %dma_wait3A_33] : memref<10624x128xf32, #tpu.memory_space<vmem_shared>> -> memref<664x128xf32, #tpu.memory_space<vmem_shared>>
      tpu.wait_dma2 semaphore(%run_scoped3A : memref<!tpu.dma_semaphore, #tpu.memory_space<semaphore_mem>>) src(%dma_wait3A_34 : memref<664x128xf32, #tpu.memory_space<vmem_shared>>) dst(%dma_wait3A_32 : memref<664x128xf32, #tpu.memory_space<hbm>>)
      tpu.yield
    }) : () -> ()
    return
  }
}

#map = affine_map<(d0, d1) -> (0, 0)>
#map1 = affine_map<(d0, d1) -> (0)>
module attributes {stable_mosaic.version = 14 : i64} {
  func.func @_gather_body(%arg0: i32, %arg1: i32, %arg2: memref<10000x128xf32, #tpu.memory_space<hbm>>, %arg3: memref<10000x128xf32, #tpu.memory_space<hbm>>, %arg4: memref<163840xi32, #tpu.memory_space<hbm>>, %arg5: memref<163840xi32, #tpu.memory_space<hbm>>, %arg6: memref<163840x128xf32, #tpu.memory_space<hbm>>, %arg7: memref<163840x128xf32, #tpu.memory_space<hbm>>, %arg8: memref<128xi32, #tpu.memory_space<vmem>>, %arg9: memref<128xi32, #tpu.memory_space<vmem>>, %arg10: memref<128x128xf32, #tpu.memory_space<vmem>>, %arg11: memref<128x128xf32, #tpu.memory_space<vmem>>, %arg12: memref<!tpu.dma_semaphore, #tpu.memory_space<semaphore_mem>>, %arg13: memref<!tpu.dma_semaphore, #tpu.memory_space<semaphore_mem>>, %arg14: memref<128xi32, #tpu.memory_space<vmem>>, %arg15: memref<128xi32, #tpu.memory_space<vmem>>, %arg16: memref<128x128xf32, #tpu.memory_space<vmem>>, %arg17: memref<128x128xf32, #tpu.memory_space<vmem>>, %arg18: memref<!tpu.dma_semaphore, #tpu.memory_space<semaphore_mem>>, %arg19: memref<!tpu.dma_semaphore, #tpu.memory_space<semaphore_mem>>) attributes {dimension_semantics = [#tpu.dimension_semantics<core_parallel>, #tpu.dimension_semantics<subcore_parallel>], iteration_bounds = array<i64: 2, 16>, scalar_prefetch = 0 : i64, scratch_operands = 12 : i64, tpu.core_type = #tpu.core_type<sc_vector_subcore>, window_params = [{transform_indices = #map}, {transform_indices = #map}, {transform_indices = #map1}, {transform_indices = #map1}, {transform_indices = #map}, {transform_indices = #map}]} {
    %mul3A = arith.constant 2 : i32
    %mul3A_0 = arith.muli %arg1, %mul3A : i32
    %add3A = arith.addi %mul3A_0, %arg0 : i32
    %mul3A_1 = arith.constant 5120 : i32
    %mul3A_2 = arith.muli %add3A, %mul3A_1 : i32
    "tpu.region"() ({
      %run_scoped3A = tpu.sem_alloc : memref<!tpu.dma_semaphore, #tpu.memory_space<semaphore_mem>>
      %dma_start3A_40 = tpu.memref_slice %arg4[%mul3A_2] : memref<163840xi32, #tpu.memory_space<hbm>> -> memref<128xi32, #tpu.memory_space<hbm>>
      %dma_start3A_41 = tpu.memref_slice %arg4[%mul3A_2] : memref<163840xi32, #tpu.memory_space<hbm>> -> memref<128xi32, #tpu.memory_space<hbm>>
      tpu.enqueue_dma source(%dma_start3A_41 : memref<128xi32, #tpu.memory_space<hbm>>) target(%arg8 : memref<128xi32, #tpu.memory_space<vmem>>) target_semaphore(%run_scoped3A : memref<!tpu.dma_semaphore, #tpu.memory_space<semaphore_mem>>)
      %dma_wait3A_42 = tpu.memref_slice %arg4[%mul3A_2] : memref<163840xi32, #tpu.memory_space<hbm>> -> memref<128xi32, #tpu.memory_space<hbm>>
      %dma_wait3A_43 = tpu.memref_slice %arg4[%mul3A_2] : memref<163840xi32, #tpu.memory_space<hbm>> -> memref<128xi32, #tpu.memory_space<hbm>>
      tpu.wait_dma2 semaphore(%run_scoped3A : memref<!tpu.dma_semaphore, #tpu.memory_space<semaphore_mem>>) src(%dma_wait3A_43 : memref<128xi32, #tpu.memory_space<hbm>>) dst(%arg8 : memref<128xi32, #tpu.memory_space<vmem>>)
      tpu.yield
    }) : () -> ()
    "tpu.region"() ({
      %run_scoped3A = tpu.sem_alloc : memref<!tpu.dma_semaphore, #tpu.memory_space<semaphore_mem>>
      %dma_start3A_40 = tpu.memref_slice %arg5[%mul3A_2] : memref<163840xi32, #tpu.memory_space<hbm>> -> memref<128xi32, #tpu.memory_space<hbm>>
      %dma_start3A_41 = tpu.memref_slice %arg5[%mul3A_2] : memref<163840xi32, #tpu.memory_space<hbm>> -> memref<128xi32, #tpu.memory_space<hbm>>
      tpu.enqueue_dma source(%dma_start3A_41 : memref<128xi32, #tpu.memory_space<hbm>>) target(%arg9 : memref<128xi32, #tpu.memory_space<vmem>>) target_semaphore(%run_scoped3A : memref<!tpu.dma_semaphore, #tpu.memory_space<semaphore_mem>>)
      %dma_wait3A_42 = tpu.memref_slice %arg5[%mul3A_2] : memref<163840xi32, #tpu.memory_space<hbm>> -> memref<128xi32, #tpu.memory_space<hbm>>
      %dma_wait3A_43 = tpu.memref_slice %arg5[%mul3A_2] : memref<163840xi32, #tpu.memory_space<hbm>> -> memref<128xi32, #tpu.memory_space<hbm>>
      tpu.wait_dma2 semaphore(%run_scoped3A : memref<!tpu.dma_semaphore, #tpu.memory_space<semaphore_mem>>) src(%dma_wait3A_43 : memref<128xi32, #tpu.memory_space<hbm>>) dst(%arg9 : memref<128xi32, #tpu.memory_space<vmem>>)
      tpu.yield
    }) : () -> ()
    %dma_start3A = arith.constant 0 : i32
    %dma_start3A_3 = arith.constant 0 : i32
    %dma_start3A_4 = tpu.memref_slice %arg2[%dma_start3A, %dma_start3A_3] : memref<10000x128xf32, #tpu.memory_space<hbm>> -> memref<10000x128xf32, #tpu.memory_space<hbm>>
    tpu.enqueue_indirect_dma source(%dma_start3A_4 : memref<10000x128xf32, #tpu.memory_space<hbm>>) target(%arg10 : memref<128x128xf32, #tpu.memory_space<vmem>>) offsets(%arg8 : memref<128xi32, #tpu.memory_space<vmem>>) semaphore(%arg12 : memref<!tpu.dma_semaphore, #tpu.memory_space<semaphore_mem>>)
    %dma_start3A_5 = arith.constant 0 : i32
    %dma_start3A_6 = arith.constant 0 : i32
    %dma_start3A_7 = tpu.memref_slice %arg3[%dma_start3A_5, %dma_start3A_6] : memref<10000x128xf32, #tpu.memory_space<hbm>> -> memref<10000x128xf32, #tpu.memory_space<hbm>>
    tpu.enqueue_indirect_dma source(%dma_start3A_7 : memref<10000x128xf32, #tpu.memory_space<hbm>>) target(%arg11 : memref<128x128xf32, #tpu.memory_space<vmem>>) offsets(%arg9 : memref<128xi32, #tpu.memory_space<vmem>>) semaphore(%arg13 : memref<!tpu.dma_semaphore, #tpu.memory_space<semaphore_mem>>)
    %scan3A = arith.constant 0 : i32
    %scan3A_8 = arith.constant 19 : i32
    %scan3A_9 = arith.addi %scan3A, %scan3A_8 : i32
    %scan3A_10 = arith.constant 1 : i32
    scf.for %scan3A_40 = %scan3A to %scan3A_9 step %scan3A_10  : i32 {
      %mul3A_41 = arith.constant 256 : i32
      %mul3A_42 = arith.muli %scan3A_40, %mul3A_41 : i32
      %add3A_43 = arith.constant 0 : i32
      %add3A_44 = arith.addi %add3A_43, %mul3A_42 : i32
      %add3A_45 = arith.addi %mul3A_2, %add3A_44 : i32
      %add3A_46 = arith.constant 128 : i32
      %add3A_47 = arith.addi %add3A_45, %add3A_46 : i32
      "tpu.region"() ({
        %run_scoped3A = tpu.sem_alloc : memref<!tpu.dma_semaphore, #tpu.memory_space<semaphore_mem>>
        %dma_start3A_79 = tpu.memref_slice %arg4[%add3A_47] : memref<163840xi32, #tpu.memory_space<hbm>> -> memref<128xi32, #tpu.memory_space<hbm>>
        %dma_start3A_80 = tpu.memref_slice %arg4[%add3A_47] : memref<163840xi32, #tpu.memory_space<hbm>> -> memref<128xi32, #tpu.memory_space<hbm>>
        tpu.enqueue_dma source(%dma_start3A_80 : memref<128xi32, #tpu.memory_space<hbm>>) target(%arg14 : memref<128xi32, #tpu.memory_space<vmem>>) target_semaphore(%run_scoped3A : memref<!tpu.dma_semaphore, #tpu.memory_space<semaphore_mem>>)
        %dma_wait3A_81 = tpu.memref_slice %arg4[%add3A_47] : memref<163840xi32, #tpu.memory_space<hbm>> -> memref<128xi32, #tpu.memory_space<hbm>>
        %dma_wait3A_82 = tpu.memref_slice %arg4[%add3A_47] : memref<163840xi32, #tpu.memory_space<hbm>> -> memref<128xi32, #tpu.memory_space<hbm>>
        tpu.wait_dma2 semaphore(%run_scoped3A : memref<!tpu.dma_semaphore, #tpu.memory_space<semaphore_mem>>) src(%dma_wait3A_82 : memref<128xi32, #tpu.memory_space<hbm>>) dst(%arg14 : memref<128xi32, #tpu.memory_space<vmem>>)
        tpu.yield
      }) : () -> ()
      "tpu.region"() ({
        %run_scoped3A = tpu.sem_alloc : memref<!tpu.dma_semaphore, #tpu.memory_space<semaphore_mem>>
        %dma_start3A_79 = tpu.memref_slice %arg5[%add3A_47] : memref<163840xi32, #tpu.memory_space<hbm>> -> memref<128xi32, #tpu.memory_space<hbm>>
        %dma_start3A_80 = tpu.memref_slice %arg5[%add3A_47] : memref<163840xi32, #tpu.memory_space<hbm>> -> memref<128xi32, #tpu.memory_space<hbm>>
        tpu.enqueue_dma source(%dma_start3A_80 : memref<128xi32, #tpu.memory_space<hbm>>) target(%arg15 : memref<128xi32, #tpu.memory_space<vmem>>) target_semaphore(%run_scoped3A : memref<!tpu.dma_semaphore, #tpu.memory_space<semaphore_mem>>)
        %dma_wait3A_81 = tpu.memref_slice %arg5[%add3A_47] : memref<163840xi32, #tpu.memory_space<hbm>> -> memref<128xi32, #tpu.memory_space<hbm>>
        %dma_wait3A_82 = tpu.memref_slice %arg5[%add3A_47] : memref<163840xi32, #tpu.memory_space<hbm>> -> memref<128xi32, #tpu.memory_space<hbm>>
        tpu.wait_dma2 semaphore(%run_scoped3A : memref<!tpu.dma_semaphore, #tpu.memory_space<semaphore_mem>>) src(%dma_wait3A_82 : memref<128xi32, #tpu.memory_space<hbm>>) dst(%arg15 : memref<128xi32, #tpu.memory_space<vmem>>)
        tpu.yield
      }) : () -> ()
      %dma_start3A_48 = arith.constant 0 : i32
      %dma_start3A_49 = arith.constant 0 : i32
      %dma_start3A_50 = tpu.memref_slice %arg2[%dma_start3A_48, %dma_start3A_49] : memref<10000x128xf32, #tpu.memory_space<hbm>> -> memref<10000x128xf32, #tpu.memory_space<hbm>>
      tpu.enqueue_indirect_dma source(%dma_start3A_50 : memref<10000x128xf32, #tpu.memory_space<hbm>>) target(%arg16 : memref<128x128xf32, #tpu.memory_space<vmem>>) offsets(%arg14 : memref<128xi32, #tpu.memory_space<vmem>>) semaphore(%arg18 : memref<!tpu.dma_semaphore, #tpu.memory_space<semaphore_mem>>)
      %dma_start3A_51 = arith.constant 0 : i32
      %dma_start3A_52 = arith.constant 0 : i32
      %dma_start3A_53 = tpu.memref_slice %arg3[%dma_start3A_51, %dma_start3A_52] : memref<10000x128xf32, #tpu.memory_space<hbm>> -> memref<10000x128xf32, #tpu.memory_space<hbm>>
      tpu.enqueue_indirect_dma source(%dma_start3A_53 : memref<10000x128xf32, #tpu.memory_space<hbm>>) target(%arg17 : memref<128x128xf32, #tpu.memory_space<vmem>>) offsets(%arg15 : memref<128xi32, #tpu.memory_space<vmem>>) semaphore(%arg19 : memref<!tpu.dma_semaphore, #tpu.memory_space<semaphore_mem>>)
      %add3A_54 = arith.addi %mul3A_2, %add3A_44 : i32
      %dma_wait3A_55 = arith.constant 0 : i32
      %dma_wait3A_56 = arith.constant 0 : i32
      %dma_wait3A_57 = tpu.memref_slice %arg2[%dma_wait3A_55, %dma_wait3A_56] : memref<10000x128xf32, #tpu.memory_space<hbm>> -> memref<10000x128xf32, #tpu.memory_space<hbm>>
      tpu.wait_indirect_dma semaphore(%arg12 : memref<!tpu.dma_semaphore, #tpu.memory_space<semaphore_mem>>) src(%dma_wait3A_57 : memref<10000x128xf32, #tpu.memory_space<hbm>>) dst(%arg10 : memref<128x128xf32, #tpu.memory_space<vmem>>)
      %dma_wait3A_58 = arith.constant 0 : i32
      %dma_wait3A_59 = arith.constant 0 : i32
      %dma_wait3A_60 = tpu.memref_slice %arg3[%dma_wait3A_58, %dma_wait3A_59] : memref<10000x128xf32, #tpu.memory_space<hbm>> -> memref<10000x128xf32, #tpu.memory_space<hbm>>
      tpu.wait_indirect_dma semaphore(%arg13 : memref<!tpu.dma_semaphore, #tpu.memory_space<semaphore_mem>>) src(%dma_wait3A_60 : memref<10000x128xf32, #tpu.memory_space<hbm>>) dst(%arg11 : memref<128x128xf32, #tpu.memory_space<vmem>>)
      "tpu.region"() ({
        %run_scoped3A = tpu.sem_alloc : memref<!tpu.dma_semaphore, #tpu.memory_space<semaphore_mem>>
        %dma_start3A_79 = arith.constant 0 : i32
        %dma_start3A_80 = tpu.memref_slice %arg6[%add3A_54, %dma_start3A_79] : memref<163840x128xf32, #tpu.memory_space<hbm>> -> memref<128x128xf32, #tpu.memory_space<hbm>>
        %dma_start3A_81 = arith.constant 0 : i32
        %dma_start3A_82 = tpu.memref_slice %arg6[%add3A_54, %dma_start3A_81] : memref<163840x128xf32, #tpu.memory_space<hbm>> -> memref<128x128xf32, #tpu.memory_space<hbm>>
        tpu.enqueue_dma source(%arg10 : memref<128x128xf32, #tpu.memory_space<vmem>>) target(%dma_start3A_82 : memref<128x128xf32, #tpu.memory_space<hbm>>) target_semaphore(%run_scoped3A : memref<!tpu.dma_semaphore, #tpu.memory_space<semaphore_mem>>)
        %dma_wait3A_83 = arith.constant 0 : i32
        %dma_wait3A_84 = tpu.memref_slice %arg6[%add3A_54, %dma_wait3A_83] : memref<163840x128xf32, #tpu.memory_space<hbm>> -> memref<128x128xf32, #tpu.memory_space<hbm>>
        %dma_wait3A_85 = arith.constant 0 : i32
        %dma_wait3A_86 = tpu.memref_slice %arg6[%add3A_54, %dma_wait3A_85] : memref<163840x128xf32, #tpu.memory_space<hbm>> -> memref<128x128xf32, #tpu.memory_space<hbm>>
        tpu.wait_dma2 semaphore(%run_scoped3A : memref<!tpu.dma_semaphore, #tpu.memory_space<semaphore_mem>>) src(%arg10 : memref<128x128xf32, #tpu.memory_space<vmem>>) dst(%dma_wait3A_86 : memref<128x128xf32, #tpu.memory_space<hbm>>)
        tpu.yield
      }) : () -> ()
      "tpu.region"() ({
        %run_scoped3A = tpu.sem_alloc : memref<!tpu.dma_semaphore, #tpu.memory_space<semaphore_mem>>
        %dma_start3A_79 = arith.constant 0 : i32
        %dma_start3A_80 = tpu.memref_slice %arg7[%add3A_54, %dma_start3A_79] : memref<163840x128xf32, #tpu.memory_space<hbm>> -> memref<128x128xf32, #tpu.memory_space<hbm>>
        %dma_start3A_81 = arith.constant 0 : i32
        %dma_start3A_82 = tpu.memref_slice %arg7[%add3A_54, %dma_start3A_81] : memref<163840x128xf32, #tpu.memory_space<hbm>> -> memref<128x128xf32, #tpu.memory_space<hbm>>
        tpu.enqueue_dma source(%arg11 : memref<128x128xf32, #tpu.memory_space<vmem>>) target(%dma_start3A_82 : memref<128x128xf32, #tpu.memory_space<hbm>>) target_semaphore(%run_scoped3A : memref<!tpu.dma_semaphore, #tpu.memory_space<semaphore_mem>>)
        %dma_wait3A_83 = arith.constant 0 : i32
        %dma_wait3A_84 = tpu.memref_slice %arg7[%add3A_54, %dma_wait3A_83] : memref<163840x128xf32, #tpu.memory_space<hbm>> -> memref<128x128xf32, #tpu.memory_space<hbm>>
        %dma_wait3A_85 = arith.constant 0 : i32
        %dma_wait3A_86 = tpu.memref_slice %arg7[%add3A_54, %dma_wait3A_85] : memref<163840x128xf32, #tpu.memory_space<hbm>> -> memref<128x128xf32, #tpu.memory_space<hbm>>
        tpu.wait_dma2 semaphore(%run_scoped3A : memref<!tpu.dma_semaphore, #tpu.memory_space<semaphore_mem>>) src(%arg11 : memref<128x128xf32, #tpu.memory_space<vmem>>) dst(%dma_wait3A_86 : memref<128x128xf32, #tpu.memory_space<hbm>>)
        tpu.yield
      }) : () -> ()
      %add3A_61 = arith.addi %mul3A_2, %add3A_44 : i32
      %add3A_62 = arith.constant 256 : i32
      %add3A_63 = arith.addi %add3A_61, %add3A_62 : i32
      "tpu.region"() ({
        %run_scoped3A = tpu.sem_alloc : memref<!tpu.dma_semaphore, #tpu.memory_space<semaphore_mem>>
        %dma_start3A_79 = tpu.memref_slice %arg4[%add3A_63] : memref<163840xi32, #tpu.memory_space<hbm>> -> memref<128xi32, #tpu.memory_space<hbm>>
        %dma_start3A_80 = tpu.memref_slice %arg4[%add3A_63] : memref<163840xi32, #tpu.memory_space<hbm>> -> memref<128xi32, #tpu.memory_space<hbm>>
        tpu.enqueue_dma source(%dma_start3A_80 : memref<128xi32, #tpu.memory_space<hbm>>) target(%arg8 : memref<128xi32, #tpu.memory_space<vmem>>) target_semaphore(%run_scoped3A : memref<!tpu.dma_semaphore, #tpu.memory_space<semaphore_mem>>)
        %dma_wait3A_81 = tpu.memref_slice %arg4[%add3A_63] : memref<163840xi32, #tpu.memory_space<hbm>> -> memref<128xi32, #tpu.memory_space<hbm>>
        %dma_wait3A_82 = tpu.memref_slice %arg4[%add3A_63] : memref<163840xi32, #tpu.memory_space<hbm>> -> memref<128xi32, #tpu.memory_space<hbm>>
        tpu.wait_dma2 semaphore(%run_scoped3A : memref<!tpu.dma_semaphore, #tpu.memory_space<semaphore_mem>>) src(%dma_wait3A_82 : memref<128xi32, #tpu.memory_space<hbm>>) dst(%arg8 : memref<128xi32, #tpu.memory_space<vmem>>)
        tpu.yield
      }) : () -> ()
      "tpu.region"() ({
        %run_scoped3A = tpu.sem_alloc : memref<!tpu.dma_semaphore, #tpu.memory_space<semaphore_mem>>
        %dma_start3A_79 = tpu.memref_slice %arg5[%add3A_63] : memref<163840xi32, #tpu.memory_space<hbm>> -> memref<128xi32, #tpu.memory_space<hbm>>
        %dma_start3A_80 = tpu.memref_slice %arg5[%add3A_63] : memref<163840xi32, #tpu.memory_space<hbm>> -> memref<128xi32, #tpu.memory_space<hbm>>
        tpu.enqueue_dma source(%dma_start3A_80 : memref<128xi32, #tpu.memory_space<hbm>>) target(%arg9 : memref<128xi32, #tpu.memory_space<vmem>>) target_semaphore(%run_scoped3A : memref<!tpu.dma_semaphore, #tpu.memory_space<semaphore_mem>>)
        %dma_wait3A_81 = tpu.memref_slice %arg5[%add3A_63] : memref<163840xi32, #tpu.memory_space<hbm>> -> memref<128xi32, #tpu.memory_space<hbm>>
        %dma_wait3A_82 = tpu.memref_slice %arg5[%add3A_63] : memref<163840xi32, #tpu.memory_space<hbm>> -> memref<128xi32, #tpu.memory_space<hbm>>
        tpu.wait_dma2 semaphore(%run_scoped3A : memref<!tpu.dma_semaphore, #tpu.memory_space<semaphore_mem>>) src(%dma_wait3A_82 : memref<128xi32, #tpu.memory_space<hbm>>) dst(%arg9 : memref<128xi32, #tpu.memory_space<vmem>>)
        tpu.yield
      }) : () -> ()
      %dma_start3A_64 = arith.constant 0 : i32
      %dma_start3A_65 = arith.constant 0 : i32
      %dma_start3A_66 = tpu.memref_slice %arg2[%dma_start3A_64, %dma_start3A_65] : memref<10000x128xf32, #tpu.memory_space<hbm>> -> memref<10000x128xf32, #tpu.memory_space<hbm>>
      tpu.enqueue_indirect_dma source(%dma_start3A_66 : memref<10000x128xf32, #tpu.memory_space<hbm>>) target(%arg10 : memref<128x128xf32, #tpu.memory_space<vmem>>) offsets(%arg8 : memref<128xi32, #tpu.memory_space<vmem>>) semaphore(%arg12 : memref<!tpu.dma_semaphore, #tpu.memory_space<semaphore_mem>>)
      %dma_start3A_67 = arith.constant 0 : i32
      %dma_start3A_68 = arith.constant 0 : i32
      %dma_start3A_69 = tpu.memref_slice %arg3[%dma_start3A_67, %dma_start3A_68] : memref<10000x128xf32, #tpu.memory_space<hbm>> -> memref<10000x128xf32, #tpu.memory_space<hbm>>
      tpu.enqueue_indirect_dma source(%dma_start3A_69 : memref<10000x128xf32, #tpu.memory_space<hbm>>) target(%arg11 : memref<128x128xf32, #tpu.memory_space<vmem>>) offsets(%arg9 : memref<128xi32, #tpu.memory_space<vmem>>) semaphore(%arg13 : memref<!tpu.dma_semaphore, #tpu.memory_space<semaphore_mem>>)
      %add3A_70 = arith.addi %mul3A_2, %add3A_44 : i32
      %add3A_71 = arith.constant 128 : i32
      %add3A_72 = arith.addi %add3A_70, %add3A_71 : i32
      %dma_wait3A_73 = arith.constant 0 : i32
      %dma_wait3A_74 = arith.constant 0 : i32
      %dma_wait3A_75 = tpu.memref_slice %arg2[%dma_wait3A_73, %dma_wait3A_74] : memref<10000x128xf32, #tpu.memory_space<hbm>> -> memref<10000x128xf32, #tpu.memory_space<hbm>>
      tpu.wait_indirect_dma semaphore(%arg18 : memref<!tpu.dma_semaphore, #tpu.memory_space<semaphore_mem>>) src(%dma_wait3A_75 : memref<10000x128xf32, #tpu.memory_space<hbm>>) dst(%arg16 : memref<128x128xf32, #tpu.memory_space<vmem>>)
      %dma_wait3A_76 = arith.constant 0 : i32
      %dma_wait3A_77 = arith.constant 0 : i32
      %dma_wait3A_78 = tpu.memref_slice %arg3[%dma_wait3A_76, %dma_wait3A_77] : memref<10000x128xf32, #tpu.memory_space<hbm>> -> memref<10000x128xf32, #tpu.memory_space<hbm>>
      tpu.wait_indirect_dma semaphore(%arg19 : memref<!tpu.dma_semaphore, #tpu.memory_space<semaphore_mem>>) src(%dma_wait3A_78 : memref<10000x128xf32, #tpu.memory_space<hbm>>) dst(%arg17 : memref<128x128xf32, #tpu.memory_space<vmem>>)
      "tpu.region"() ({
        %run_scoped3A = tpu.sem_alloc : memref<!tpu.dma_semaphore, #tpu.memory_space<semaphore_mem>>
        %dma_start3A_79 = arith.constant 0 : i32
        %dma_start3A_80 = tpu.memref_slice %arg6[%add3A_72, %dma_start3A_79] : memref<163840x128xf32, #tpu.memory_space<hbm>> -> memref<128x128xf32, #tpu.memory_space<hbm>>
        %dma_start3A_81 = arith.constant 0 : i32
        %dma_start3A_82 = tpu.memref_slice %arg6[%add3A_72, %dma_start3A_81] : memref<163840x128xf32, #tpu.memory_space<hbm>> -> memref<128x128xf32, #tpu.memory_space<hbm>>
        tpu.enqueue_dma source(%arg16 : memref<128x128xf32, #tpu.memory_space<vmem>>) target(%dma_start3A_82 : memref<128x128xf32, #tpu.memory_space<hbm>>) target_semaphore(%run_scoped3A : memref<!tpu.dma_semaphore, #tpu.memory_space<semaphore_mem>>)
        %dma_wait3A_83 = arith.constant 0 : i32
        %dma_wait3A_84 = tpu.memref_slice %arg6[%add3A_72, %dma_wait3A_83] : memref<163840x128xf32, #tpu.memory_space<hbm>> -> memref<128x128xf32, #tpu.memory_space<hbm>>
        %dma_wait3A_85 = arith.constant 0 : i32
        %dma_wait3A_86 = tpu.memref_slice %arg6[%add3A_72, %dma_wait3A_85] : memref<163840x128xf32, #tpu.memory_space<hbm>> -> memref<128x128xf32, #tpu.memory_space<hbm>>
        tpu.wait_dma2 semaphore(%run_scoped3A : memref<!tpu.dma_semaphore, #tpu.memory_space<semaphore_mem>>) src(%arg16 : memref<128x128xf32, #tpu.memory_space<vmem>>) dst(%dma_wait3A_86 : memref<128x128xf32, #tpu.memory_space<hbm>>)
        tpu.yield
      }) : () -> ()
      "tpu.region"() ({
        %run_scoped3A = tpu.sem_alloc : memref<!tpu.dma_semaphore, #tpu.memory_space<semaphore_mem>>
        %dma_start3A_79 = arith.constant 0 : i32
        %dma_start3A_80 = tpu.memref_slice %arg7[%add3A_72, %dma_start3A_79] : memref<163840x128xf32, #tpu.memory_space<hbm>> -> memref<128x128xf32, #tpu.memory_space<hbm>>
        %dma_start3A_81 = arith.constant 0 : i32
        %dma_start3A_82 = tpu.memref_slice %arg7[%add3A_72, %dma_start3A_81] : memref<163840x128xf32, #tpu.memory_space<hbm>> -> memref<128x128xf32, #tpu.memory_space<hbm>>
        tpu.enqueue_dma source(%arg17 : memref<128x128xf32, #tpu.memory_space<vmem>>) target(%dma_start3A_82 : memref<128x128xf32, #tpu.memory_space<hbm>>) target_semaphore(%run_scoped3A : memref<!tpu.dma_semaphore, #tpu.memory_space<semaphore_mem>>)
        %dma_wait3A_83 = arith.constant 0 : i32
        %dma_wait3A_84 = tpu.memref_slice %arg7[%add3A_72, %dma_wait3A_83] : memref<163840x128xf32, #tpu.memory_space<hbm>> -> memref<128x128xf32, #tpu.memory_space<hbm>>
        %dma_wait3A_85 = arith.constant 0 : i32
        %dma_wait3A_86 = tpu.memref_slice %arg7[%add3A_72, %dma_wait3A_85] : memref<163840x128xf32, #tpu.memory_space<hbm>> -> memref<128x128xf32, #tpu.memory_space<hbm>>
        tpu.wait_dma2 semaphore(%run_scoped3A : memref<!tpu.dma_semaphore, #tpu.memory_space<semaphore_mem>>) src(%arg17 : memref<128x128xf32, #tpu.memory_space<vmem>>) dst(%dma_wait3A_86 : memref<128x128xf32, #tpu.memory_space<hbm>>)
        tpu.yield
      }) : () -> ()
    }
    %scan3A_11 = arith.constant 19 : i32
    %add3A_12 = arith.constant 5120 : i32
    %add3A_13 = arith.addi %mul3A_2, %add3A_12 : i32
    %sub3A = arith.constant 128 : i32
    %sub3A_14 = arith.subi %add3A_13, %sub3A : i32
    "tpu.region"() ({
      %run_scoped3A = tpu.sem_alloc : memref<!tpu.dma_semaphore, #tpu.memory_space<semaphore_mem>>
      %dma_start3A_40 = tpu.memref_slice %arg4[%sub3A_14] : memref<163840xi32, #tpu.memory_space<hbm>> -> memref<128xi32, #tpu.memory_space<hbm>>
      %dma_start3A_41 = tpu.memref_slice %arg4[%sub3A_14] : memref<163840xi32, #tpu.memory_space<hbm>> -> memref<128xi32, #tpu.memory_space<hbm>>
      tpu.enqueue_dma source(%dma_start3A_41 : memref<128xi32, #tpu.memory_space<hbm>>) target(%arg14 : memref<128xi32, #tpu.memory_space<vmem>>) target_semaphore(%run_scoped3A : memref<!tpu.dma_semaphore, #tpu.memory_space<semaphore_mem>>)
      %dma_wait3A_42 = tpu.memref_slice %arg4[%sub3A_14] : memref<163840xi32, #tpu.memory_space<hbm>> -> memref<128xi32, #tpu.memory_space<hbm>>
      %dma_wait3A_43 = tpu.memref_slice %arg4[%sub3A_14] : memref<163840xi32, #tpu.memory_space<hbm>> -> memref<128xi32, #tpu.memory_space<hbm>>
      tpu.wait_dma2 semaphore(%run_scoped3A : memref<!tpu.dma_semaphore, #tpu.memory_space<semaphore_mem>>) src(%dma_wait3A_43 : memref<128xi32, #tpu.memory_space<hbm>>) dst(%arg14 : memref<128xi32, #tpu.memory_space<vmem>>)
      tpu.yield
    }) : () -> ()
    "tpu.region"() ({
      %run_scoped3A = tpu.sem_alloc : memref<!tpu.dma_semaphore, #tpu.memory_space<semaphore_mem>>
      %dma_start3A_40 = tpu.memref_slice %arg5[%sub3A_14] : memref<163840xi32, #tpu.memory_space<hbm>> -> memref<128xi32, #tpu.memory_space<hbm>>
      %dma_start3A_41 = tpu.memref_slice %arg5[%sub3A_14] : memref<163840xi32, #tpu.memory_space<hbm>> -> memref<128xi32, #tpu.memory_space<hbm>>
      tpu.enqueue_dma source(%dma_start3A_41 : memref<128xi32, #tpu.memory_space<hbm>>) target(%arg15 : memref<128xi32, #tpu.memory_space<vmem>>) target_semaphore(%run_scoped3A : memref<!tpu.dma_semaphore, #tpu.memory_space<semaphore_mem>>)
      %dma_wait3A_42 = tpu.memref_slice %arg5[%sub3A_14] : memref<163840xi32, #tpu.memory_space<hbm>> -> memref<128xi32, #tpu.memory_space<hbm>>
      %dma_wait3A_43 = tpu.memref_slice %arg5[%sub3A_14] : memref<163840xi32, #tpu.memory_space<hbm>> -> memref<128xi32, #tpu.memory_space<hbm>>
      tpu.wait_dma2 semaphore(%run_scoped3A : memref<!tpu.dma_semaphore, #tpu.memory_space<semaphore_mem>>) src(%dma_wait3A_43 : memref<128xi32, #tpu.memory_space<hbm>>) dst(%arg15 : memref<128xi32, #tpu.memory_space<vmem>>)
      tpu.yield
    }) : () -> ()
    %dma_start3A_15 = arith.constant 0 : i32
    %dma_start3A_16 = arith.constant 0 : i32
    %dma_start3A_17 = tpu.memref_slice %arg2[%dma_start3A_15, %dma_start3A_16] : memref<10000x128xf32, #tpu.memory_space<hbm>> -> memref<10000x128xf32, #tpu.memory_space<hbm>>
    tpu.enqueue_indirect_dma source(%dma_start3A_17 : memref<10000x128xf32, #tpu.memory_space<hbm>>) target(%arg16 : memref<128x128xf32, #tpu.memory_space<vmem>>) offsets(%arg14 : memref<128xi32, #tpu.memory_space<vmem>>) semaphore(%arg18 : memref<!tpu.dma_semaphore, #tpu.memory_space<semaphore_mem>>)
    %dma_start3A_18 = arith.constant 0 : i32
    %dma_start3A_19 = arith.constant 0 : i32
    %dma_start3A_20 = tpu.memref_slice %arg3[%dma_start3A_18, %dma_start3A_19] : memref<10000x128xf32, #tpu.memory_space<hbm>> -> memref<10000x128xf32, #tpu.memory_space<hbm>>
    tpu.enqueue_indirect_dma source(%dma_start3A_20 : memref<10000x128xf32, #tpu.memory_space<hbm>>) target(%arg17 : memref<128x128xf32, #tpu.memory_space<vmem>>) offsets(%arg15 : memref<128xi32, #tpu.memory_space<vmem>>) semaphore(%arg19 : memref<!tpu.dma_semaphore, #tpu.memory_space<semaphore_mem>>)
    %add3A_21 = arith.constant 5120 : i32
    %add3A_22 = arith.addi %mul3A_2, %add3A_21 : i32
    %sub3A_23 = arith.constant 256 : i32
    %sub3A_24 = arith.subi %add3A_22, %sub3A_23 : i32
    %dma_wait3A = arith.constant 0 : i32
    %dma_wait3A_25 = arith.constant 0 : i32
    %dma_wait3A_26 = tpu.memref_slice %arg2[%dma_wait3A, %dma_wait3A_25] : memref<10000x128xf32, #tpu.memory_space<hbm>> -> memref<10000x128xf32, #tpu.memory_space<hbm>>
    tpu.wait_indirect_dma semaphore(%arg12 : memref<!tpu.dma_semaphore, #tpu.memory_space<semaphore_mem>>) src(%dma_wait3A_26 : memref<10000x128xf32, #tpu.memory_space<hbm>>) dst(%arg10 : memref<128x128xf32, #tpu.memory_space<vmem>>)
    %dma_wait3A_27 = arith.constant 0 : i32
    %dma_wait3A_28 = arith.constant 0 : i32
    %dma_wait3A_29 = tpu.memref_slice %arg3[%dma_wait3A_27, %dma_wait3A_28] : memref<10000x128xf32, #tpu.memory_space<hbm>> -> memref<10000x128xf32, #tpu.memory_space<hbm>>
    tpu.wait_indirect_dma semaphore(%arg13 : memref<!tpu.dma_semaphore, #tpu.memory_space<semaphore_mem>>) src(%dma_wait3A_29 : memref<10000x128xf32, #tpu.memory_space<hbm>>) dst(%arg11 : memref<128x128xf32, #tpu.memory_space<vmem>>)
    "tpu.region"() ({
      %run_scoped3A = tpu.sem_alloc : memref<!tpu.dma_semaphore, #tpu.memory_space<semaphore_mem>>
      %dma_start3A_40 = arith.constant 0 : i32
      %dma_start3A_41 = tpu.memref_slice %arg6[%sub3A_24, %dma_start3A_40] : memref<163840x128xf32, #tpu.memory_space<hbm>> -> memref<128x128xf32, #tpu.memory_space<hbm>>
      %dma_start3A_42 = arith.constant 0 : i32
      %dma_start3A_43 = tpu.memref_slice %arg6[%sub3A_24, %dma_start3A_42] : memref<163840x128xf32, #tpu.memory_space<hbm>> -> memref<128x128xf32, #tpu.memory_space<hbm>>
      tpu.enqueue_dma source(%arg10 : memref<128x128xf32, #tpu.memory_space<vmem>>) target(%dma_start3A_43 : memref<128x128xf32, #tpu.memory_space<hbm>>) target_semaphore(%run_scoped3A : memref<!tpu.dma_semaphore, #tpu.memory_space<semaphore_mem>>)
      %dma_wait3A_44 = arith.constant 0 : i32
      %dma_wait3A_45 = tpu.memref_slice %arg6[%sub3A_24, %dma_wait3A_44] : memref<163840x128xf32, #tpu.memory_space<hbm>> -> memref<128x128xf32, #tpu.memory_space<hbm>>
      %dma_wait3A_46 = arith.constant 0 : i32
      %dma_wait3A_47 = tpu.memref_slice %arg6[%sub3A_24, %dma_wait3A_46] : memref<163840x128xf32, #tpu.memory_space<hbm>> -> memref<128x128xf32, #tpu.memory_space<hbm>>
      tpu.wait_dma2 semaphore(%run_scoped3A : memref<!tpu.dma_semaphore, #tpu.memory_space<semaphore_mem>>) src(%arg10 : memref<128x128xf32, #tpu.memory_space<vmem>>) dst(%dma_wait3A_47 : memref<128x128xf32, #tpu.memory_space<hbm>>)
      tpu.yield
    }) : () -> ()
    "tpu.region"() ({
      %run_scoped3A = tpu.sem_alloc : memref<!tpu.dma_semaphore, #tpu.memory_space<semaphore_mem>>
      %dma_start3A_40 = arith.constant 0 : i32
      %dma_start3A_41 = tpu.memref_slice %arg7[%sub3A_24, %dma_start3A_40] : memref<163840x128xf32, #tpu.memory_space<hbm>> -> memref<128x128xf32, #tpu.memory_space<hbm>>
      %dma_start3A_42 = arith.constant 0 : i32
      %dma_start3A_43 = tpu.memref_slice %arg7[%sub3A_24, %dma_start3A_42] : memref<163840x128xf32, #tpu.memory_space<hbm>> -> memref<128x128xf32, #tpu.memory_space<hbm>>
      tpu.enqueue_dma source(%arg11 : memref<128x128xf32, #tpu.memory_space<vmem>>) target(%dma_start3A_43 : memref<128x128xf32, #tpu.memory_space<hbm>>) target_semaphore(%run_scoped3A : memref<!tpu.dma_semaphore, #tpu.memory_space<semaphore_mem>>)
      %dma_wait3A_44 = arith.constant 0 : i32
      %dma_wait3A_45 = tpu.memref_slice %arg7[%sub3A_24, %dma_wait3A_44] : memref<163840x128xf32, #tpu.memory_space<hbm>> -> memref<128x128xf32, #tpu.memory_space<hbm>>
      %dma_wait3A_46 = arith.constant 0 : i32
      %dma_wait3A_47 = tpu.memref_slice %arg7[%sub3A_24, %dma_wait3A_46] : memref<163840x128xf32, #tpu.memory_space<hbm>> -> memref<128x128xf32, #tpu.memory_space<hbm>>
      tpu.wait_dma2 semaphore(%run_scoped3A : memref<!tpu.dma_semaphore, #tpu.memory_space<semaphore_mem>>) src(%arg11 : memref<128x128xf32, #tpu.memory_space<vmem>>) dst(%dma_wait3A_47 : memref<128x128xf32, #tpu.memory_space<hbm>>)
      tpu.yield
    }) : () -> ()
    %add3A_30 = arith.constant 5120 : i32
    %add3A_31 = arith.addi %mul3A_2, %add3A_30 : i32
    %sub3A_32 = arith.constant 128 : i32
    %sub3A_33 = arith.subi %add3A_31, %sub3A_32 : i32
    %dma_wait3A_34 = arith.constant 0 : i32
    %dma_wait3A_35 = arith.constant 0 : i32
    %dma_wait3A_36 = tpu.memref_slice %arg2[%dma_wait3A_34, %dma_wait3A_35] : memref<10000x128xf32, #tpu.memory_space<hbm>> -> memref<10000x128xf32, #tpu.memory_space<hbm>>
    tpu.wait_indirect_dma semaphore(%arg18 : memref<!tpu.dma_semaphore, #tpu.memory_space<semaphore_mem>>) src(%dma_wait3A_36 : memref<10000x128xf32, #tpu.memory_space<hbm>>) dst(%arg16 : memref<128x128xf32, #tpu.memory_space<vmem>>)
    %dma_wait3A_37 = arith.constant 0 : i32
    %dma_wait3A_38 = arith.constant 0 : i32
    %dma_wait3A_39 = tpu.memref_slice %arg3[%dma_wait3A_37, %dma_wait3A_38] : memref<10000x128xf32, #tpu.memory_space<hbm>> -> memref<10000x128xf32, #tpu.memory_space<hbm>>
    tpu.wait_indirect_dma semaphore(%arg19 : memref<!tpu.dma_semaphore, #tpu.memory_space<semaphore_mem>>) src(%dma_wait3A_39 : memref<10000x128xf32, #tpu.memory_space<hbm>>) dst(%arg17 : memref<128x128xf32, #tpu.memory_space<vmem>>)
    "tpu.region"() ({
      %run_scoped3A = tpu.sem_alloc : memref<!tpu.dma_semaphore, #tpu.memory_space<semaphore_mem>>
      %dma_start3A_40 = arith.constant 0 : i32
      %dma_start3A_41 = tpu.memref_slice %arg6[%sub3A_33, %dma_start3A_40] : memref<163840x128xf32, #tpu.memory_space<hbm>> -> memref<128x128xf32, #tpu.memory_space<hbm>>
      %dma_start3A_42 = arith.constant 0 : i32
      %dma_start3A_43 = tpu.memref_slice %arg6[%sub3A_33, %dma_start3A_42] : memref<163840x128xf32, #tpu.memory_space<hbm>> -> memref<128x128xf32, #tpu.memory_space<hbm>>
      tpu.enqueue_dma source(%arg16 : memref<128x128xf32, #tpu.memory_space<vmem>>) target(%dma_start3A_43 : memref<128x128xf32, #tpu.memory_space<hbm>>) target_semaphore(%run_scoped3A : memref<!tpu.dma_semaphore, #tpu.memory_space<semaphore_mem>>)
      %dma_wait3A_44 = arith.constant 0 : i32
      %dma_wait3A_45 = tpu.memref_slice %arg6[%sub3A_33, %dma_wait3A_44] : memref<163840x128xf32, #tpu.memory_space<hbm>> -> memref<128x128xf32, #tpu.memory_space<hbm>>
      %dma_wait3A_46 = arith.constant 0 : i32
      %dma_wait3A_47 = tpu.memref_slice %arg6[%sub3A_33, %dma_wait3A_46] : memref<163840x128xf32, #tpu.memory_space<hbm>> -> memref<128x128xf32, #tpu.memory_space<hbm>>
      tpu.wait_dma2 semaphore(%run_scoped3A : memref<!tpu.dma_semaphore, #tpu.memory_space<semaphore_mem>>) src(%arg16 : memref<128x128xf32, #tpu.memory_space<vmem>>) dst(%dma_wait3A_47 : memref<128x128xf32, #tpu.memory_space<hbm>>)
      tpu.yield
    }) : () -> ()
    "tpu.region"() ({
      %run_scoped3A = tpu.sem_alloc : memref<!tpu.dma_semaphore, #tpu.memory_space<semaphore_mem>>
      %dma_start3A_40 = arith.constant 0 : i32
      %dma_start3A_41 = tpu.memref_slice %arg7[%sub3A_33, %dma_start3A_40] : memref<163840x128xf32, #tpu.memory_space<hbm>> -> memref<128x128xf32, #tpu.memory_space<hbm>>
      %dma_start3A_42 = arith.constant 0 : i32
      %dma_start3A_43 = tpu.memref_slice %arg7[%sub3A_33, %dma_start3A_42] : memref<163840x128xf32, #tpu.memory_space<hbm>> -> memref<128x128xf32, #tpu.memory_space<hbm>>
      tpu.enqueue_dma source(%arg17 : memref<128x128xf32, #tpu.memory_space<vmem>>) target(%dma_start3A_43 : memref<128x128xf32, #tpu.memory_space<hbm>>) target_semaphore(%run_scoped3A : memref<!tpu.dma_semaphore, #tpu.memory_space<semaphore_mem>>)
      %dma_wait3A_44 = arith.constant 0 : i32
      %dma_wait3A_45 = tpu.memref_slice %arg7[%sub3A_33, %dma_wait3A_44] : memref<163840x128xf32, #tpu.memory_space<hbm>> -> memref<128x128xf32, #tpu.memory_space<hbm>>
      %dma_wait3A_46 = arith.constant 0 : i32
      %dma_wait3A_47 = tpu.memref_slice %arg7[%sub3A_33, %dma_wait3A_46] : memref<163840x128xf32, #tpu.memory_space<hbm>> -> memref<128x128xf32, #tpu.memory_space<hbm>>
      tpu.wait_dma2 semaphore(%run_scoped3A : memref<!tpu.dma_semaphore, #tpu.memory_space<semaphore_mem>>) src(%arg17 : memref<128x128xf32, #tpu.memory_space<vmem>>) dst(%dma_wait3A_47 : memref<128x128xf32, #tpu.memory_space<hbm>>)
      tpu.yield
    }) : () -> ()
    return
  }
}

#map = affine_map<(d0, d1) -> (0, 0)>
#map1 = affine_map<(d0, d1) -> (0)>
#map2 = affine_map<(d0, d1) -> (0, 0, 0)>
module attributes {stable_mosaic.version = 14 : i64} {
  func.func @_scatter_body(%arg0: i32, %arg1: i32, %arg2: memref<163840x128xf32, #tpu.memory_space<hbm>>, %arg3: memref<163840xi32, #tpu.memory_space<hbm>>, %arg4: memref<10624x128xf32, #tpu.memory_space<hbm>>, %arg5: memref<2x10624x128xf32, #tpu.memory_space<hbm>>, %arg6: memref<128xi32, #tpu.memory_space<vmem>>, %arg7: memref<128x128xf32, #tpu.memory_space<vmem>>, %arg8: memref<!tpu.dma_semaphore, #tpu.memory_space<semaphore_mem>>, %arg9: memref<128xi32, #tpu.memory_space<vmem>>, %arg10: memref<128x128xf32, #tpu.memory_space<vmem>>, %arg11: memref<!tpu.dma_semaphore, #tpu.memory_space<semaphore_mem>>, %arg12: memref<10624x128xf32, #tpu.memory_space<vmem_shared>>) attributes {dimension_semantics = [#tpu.dimension_semantics<core_parallel>, #tpu.dimension_semantics<subcore_parallel>], iteration_bounds = array<i64: 2, 16>, scalar_prefetch = 0 : i64, scratch_operands = 7 : i64, tpu.core_type = #tpu.core_type<sc_vector_subcore>, window_params = [{transform_indices = #map}, {transform_indices = #map1}, {transform_indices = #map}, {transform_indices = #map2}]} {
    %mul3A = arith.constant 2 : i32
    %mul3A_0 = arith.muli %arg1, %mul3A : i32
    %add3A = arith.addi %mul3A_0, %arg0 : i32
    %mul3A_1 = arith.constant 5120 : i32
    %mul3A_2 = arith.muli %add3A, %mul3A_1 : i32
    %mul3A_3 = arith.constant 664 : i32
    %mul3A_4 = arith.muli %arg1, %mul3A_3 : i32
    %mul3A_5 = arith.constant 664 : i32
    %mul3A_6 = arith.muli %arg1, %mul3A_5 : i32
    "tpu.region"() ({
      %run_scoped3A = tpu.sem_alloc : memref<!tpu.dma_semaphore, #tpu.memory_space<semaphore_mem>>
      %dma_start3A_37 = arith.constant 0 : i32
      %dma_start3A_38 = tpu.memref_slice %arg12[%mul3A_6, %dma_start3A_37] : memref<10624x128xf32, #tpu.memory_space<vmem_shared>> -> memref<664x128xf32, #tpu.memory_space<vmem_shared>>
      %dma_start3A_39 = arith.constant 0 : i32
      %dma_start3A_40 = tpu.memref_slice %arg4[%mul3A_4, %dma_start3A_39] : memref<10624x128xf32, #tpu.memory_space<hbm>> -> memref<664x128xf32, #tpu.memory_space<hbm>>
      tpu.enqueue_dma source(%dma_start3A_40 : memref<664x128xf32, #tpu.memory_space<hbm>>) target(%dma_start3A_38 : memref<664x128xf32, #tpu.memory_space<vmem_shared>>) target_semaphore(%run_scoped3A : memref<!tpu.dma_semaphore, #tpu.memory_space<semaphore_mem>>)
      %dma_wait3A_41 = arith.constant 0 : i32
      %dma_wait3A_42 = tpu.memref_slice %arg12[%mul3A_6, %dma_wait3A_41] : memref<10624x128xf32, #tpu.memory_space<vmem_shared>> -> memref<664x128xf32, #tpu.memory_space<vmem_shared>>
      %dma_wait3A_43 = arith.constant 0 : i32
      %dma_wait3A_44 = tpu.memref_slice %arg4[%mul3A_4, %dma_wait3A_43] : memref<10624x128xf32, #tpu.memory_space<hbm>> -> memref<664x128xf32, #tpu.memory_space<hbm>>
      tpu.wait_dma2 semaphore(%run_scoped3A : memref<!tpu.dma_semaphore, #tpu.memory_space<semaphore_mem>>) src(%dma_wait3A_44 : memref<664x128xf32, #tpu.memory_space<hbm>>) dst(%dma_wait3A_42 : memref<664x128xf32, #tpu.memory_space<vmem_shared>>)
      tpu.yield
    }) : () -> ()
    %barrier3A = arith.constant 0 : index
    tpu.barrier barrier_id(%barrier3A)
    "tpu.region"() ({
      %run_scoped3A = tpu.sem_alloc : memref<!tpu.dma_semaphore, #tpu.memory_space<semaphore_mem>>
      %dma_start3A_37 = tpu.memref_slice %arg3[%mul3A_2] : memref<163840xi32, #tpu.memory_space<hbm>> -> memref<128xi32, #tpu.memory_space<hbm>>
      %dma_start3A_38 = tpu.memref_slice %arg3[%mul3A_2] : memref<163840xi32, #tpu.memory_space<hbm>> -> memref<128xi32, #tpu.memory_space<hbm>>
      tpu.enqueue_dma source(%dma_start3A_38 : memref<128xi32, #tpu.memory_space<hbm>>) target(%arg6 : memref<128xi32, #tpu.memory_space<vmem>>) target_semaphore(%run_scoped3A : memref<!tpu.dma_semaphore, #tpu.memory_space<semaphore_mem>>)
      %dma_wait3A_39 = tpu.memref_slice %arg3[%mul3A_2] : memref<163840xi32, #tpu.memory_space<hbm>> -> memref<128xi32, #tpu.memory_space<hbm>>
      %dma_wait3A_40 = tpu.memref_slice %arg3[%mul3A_2] : memref<163840xi32, #tpu.memory_space<hbm>> -> memref<128xi32, #tpu.memory_space<hbm>>
      tpu.wait_dma2 semaphore(%run_scoped3A : memref<!tpu.dma_semaphore, #tpu.memory_space<semaphore_mem>>) src(%dma_wait3A_40 : memref<128xi32, #tpu.memory_space<hbm>>) dst(%arg6 : memref<128xi32, #tpu.memory_space<vmem>>)
      tpu.yield
    }) : () -> ()
    %dma_start3A = arith.constant 0 : i32
    %dma_start3A_7 = tpu.memref_slice %arg2[%mul3A_2, %dma_start3A] : memref<163840x128xf32, #tpu.memory_space<hbm>> -> memref<128x128xf32, #tpu.memory_space<hbm>>
    %dma_start3A_8 = arith.constant 0 : i32
    %dma_start3A_9 = tpu.memref_slice %arg2[%mul3A_2, %dma_start3A_8] : memref<163840x128xf32, #tpu.memory_space<hbm>> -> memref<128x128xf32, #tpu.memory_space<hbm>>
    tpu.enqueue_dma source(%dma_start3A_9 : memref<128x128xf32, #tpu.memory_space<hbm>>) target(%arg7 : memref<128x128xf32, #tpu.memory_space<vmem>>) target_semaphore(%arg8 : memref<!tpu.dma_semaphore, #tpu.memory_space<semaphore_mem>>)
    %scan3A = arith.constant 0 : i32
    %scan3A_10 = arith.constant 19 : i32
    %scan3A_11 = arith.addi %scan3A, %scan3A_10 : i32
    %scan3A_12 = arith.constant 1 : i32
    scf.for %scan3A_37 = %scan3A to %scan3A_11 step %scan3A_12  : i32 {
      %mul3A_38 = arith.constant 256 : i32
      %mul3A_39 = arith.muli %scan3A_37, %mul3A_38 : i32
      %add3A_40 = arith.constant 0 : i32
      %add3A_41 = arith.addi %add3A_40, %mul3A_39 : i32
      %add3A_42 = arith.addi %mul3A_2, %add3A_41 : i32
      %add3A_43 = arith.constant 128 : i32
      %add3A_44 = arith.addi %add3A_42, %add3A_43 : i32
      "tpu.region"() ({
        %run_scoped3A = tpu.sem_alloc : memref<!tpu.dma_semaphore, #tpu.memory_space<semaphore_mem>>
        %dma_start3A_68 = tpu.memref_slice %arg3[%add3A_44] : memref<163840xi32, #tpu.memory_space<hbm>> -> memref<128xi32, #tpu.memory_space<hbm>>
        %dma_start3A_69 = tpu.memref_slice %arg3[%add3A_44] : memref<163840xi32, #tpu.memory_space<hbm>> -> memref<128xi32, #tpu.memory_space<hbm>>
        tpu.enqueue_dma source(%dma_start3A_69 : memref<128xi32, #tpu.memory_space<hbm>>) target(%arg9 : memref<128xi32, #tpu.memory_space<vmem>>) target_semaphore(%run_scoped3A : memref<!tpu.dma_semaphore, #tpu.memory_space<semaphore_mem>>)
        %dma_wait3A_70 = tpu.memref_slice %arg3[%add3A_44] : memref<163840xi32, #tpu.memory_space<hbm>> -> memref<128xi32, #tpu.memory_space<hbm>>
        %dma_wait3A_71 = tpu.memref_slice %arg3[%add3A_44] : memref<163840xi32, #tpu.memory_space<hbm>> -> memref<128xi32, #tpu.memory_space<hbm>>
        tpu.wait_dma2 semaphore(%run_scoped3A : memref<!tpu.dma_semaphore, #tpu.memory_space<semaphore_mem>>) src(%dma_wait3A_71 : memref<128xi32, #tpu.memory_space<hbm>>) dst(%arg9 : memref<128xi32, #tpu.memory_space<vmem>>)
        tpu.yield
      }) : () -> ()
      %dma_start3A_45 = arith.constant 0 : i32
      %dma_start3A_46 = tpu.memref_slice %arg2[%add3A_44, %dma_start3A_45] : memref<163840x128xf32, #tpu.memory_space<hbm>> -> memref<128x128xf32, #tpu.memory_space<hbm>>
      %dma_start3A_47 = arith.constant 0 : i32
      %dma_start3A_48 = tpu.memref_slice %arg2[%add3A_44, %dma_start3A_47] : memref<163840x128xf32, #tpu.memory_space<hbm>> -> memref<128x128xf32, #tpu.memory_space<hbm>>
      tpu.enqueue_dma source(%dma_start3A_48 : memref<128x128xf32, #tpu.memory_space<hbm>>) target(%arg10 : memref<128x128xf32, #tpu.memory_space<vmem>>) target_semaphore(%arg11 : memref<!tpu.dma_semaphore, #tpu.memory_space<semaphore_mem>>)
      %dma_wait3A_49 = arith.constant 0 : i32
      %dma_wait3A_50 = arith.constant 0 : i32
      %dma_wait3A_51 = tpu.memref_slice %arg2[%dma_wait3A_49, %dma_wait3A_50] : memref<163840x128xf32, #tpu.memory_space<hbm>> -> memref<128x128xf32, #tpu.memory_space<hbm>>
      %dma_wait3A_52 = arith.constant 0 : i32
      %dma_wait3A_53 = arith.constant 0 : i32
      %dma_wait3A_54 = tpu.memref_slice %arg2[%dma_wait3A_52, %dma_wait3A_53] : memref<163840x128xf32, #tpu.memory_space<hbm>> -> memref<128x128xf32, #tpu.memory_space<hbm>>
      tpu.wait_dma2 semaphore(%arg8 : memref<!tpu.dma_semaphore, #tpu.memory_space<semaphore_mem>>) src(%dma_wait3A_54 : memref<128x128xf32, #tpu.memory_space<hbm>>) dst(%arg7 : memref<128x128xf32, #tpu.memory_space<vmem>>)
      "tpu.region"() ({
        %run_scoped3A = tpu.sem_alloc : memref<!tpu.dma_semaphore, #tpu.memory_space<semaphore_mem>>
        %dma_start3A_68 = arith.constant 0 : i32
        %dma_start3A_69 = arith.constant 0 : i32
        %dma_start3A_70 = tpu.memref_slice %arg12[%dma_start3A_68, %dma_start3A_69] : memref<10624x128xf32, #tpu.memory_space<vmem_shared>> -> memref<10624x128xf32, #tpu.memory_space<vmem_shared>>
        tpu.enqueue_indirect_dma source(%arg7 : memref<128x128xf32, #tpu.memory_space<vmem>>) target(%dma_start3A_70 : memref<10624x128xf32, #tpu.memory_space<vmem_shared>>) offsets(%arg6 : memref<128xi32, #tpu.memory_space<vmem>>) semaphore(%run_scoped3A : memref<!tpu.dma_semaphore, #tpu.memory_space<semaphore_mem>>) {add = true}
        %dma_wait3A_71 = arith.constant 0 : i32
        %dma_wait3A_72 = arith.constant 0 : i32
        %dma_wait3A_73 = tpu.memref_slice %arg12[%dma_wait3A_71, %dma_wait3A_72] : memref<10624x128xf32, #tpu.memory_space<vmem_shared>> -> memref<10624x128xf32, #tpu.memory_space<vmem_shared>>
        tpu.wait_indirect_dma semaphore(%run_scoped3A : memref<!tpu.dma_semaphore, #tpu.memory_space<semaphore_mem>>) src(%arg7 : memref<128x128xf32, #tpu.memory_space<vmem>>) dst(%dma_wait3A_73 : memref<10624x128xf32, #tpu.memory_space<vmem_shared>>)
        tpu.yield
      }) : () -> ()
      %add3A_55 = arith.addi %mul3A_2, %add3A_41 : i32
      %add3A_56 = arith.constant 256 : i32
      %add3A_57 = arith.addi %add3A_55, %add3A_56 : i32
      "tpu.region"() ({
        %run_scoped3A = tpu.sem_alloc : memref<!tpu.dma_semaphore, #tpu.memory_space<semaphore_mem>>
        %dma_start3A_68 = tpu.memref_slice %arg3[%add3A_57] : memref<163840xi32, #tpu.memory_space<hbm>> -> memref<128xi32, #tpu.memory_space<hbm>>
        %dma_start3A_69 = tpu.memref_slice %arg3[%add3A_57] : memref<163840xi32, #tpu.memory_space<hbm>> -> memref<128xi32, #tpu.memory_space<hbm>>
        tpu.enqueue_dma source(%dma_start3A_69 : memref<128xi32, #tpu.memory_space<hbm>>) target(%arg6 : memref<128xi32, #tpu.memory_space<vmem>>) target_semaphore(%run_scoped3A : memref<!tpu.dma_semaphore, #tpu.memory_space<semaphore_mem>>)
        %dma_wait3A_70 = tpu.memref_slice %arg3[%add3A_57] : memref<163840xi32, #tpu.memory_space<hbm>> -> memref<128xi32, #tpu.memory_space<hbm>>
        %dma_wait3A_71 = tpu.memref_slice %arg3[%add3A_57] : memref<163840xi32, #tpu.memory_space<hbm>> -> memref<128xi32, #tpu.memory_space<hbm>>
        tpu.wait_dma2 semaphore(%run_scoped3A : memref<!tpu.dma_semaphore, #tpu.memory_space<semaphore_mem>>) src(%dma_wait3A_71 : memref<128xi32, #tpu.memory_space<hbm>>) dst(%arg6 : memref<128xi32, #tpu.memory_space<vmem>>)
        tpu.yield
      }) : () -> ()
      %dma_start3A_58 = arith.constant 0 : i32
      %dma_start3A_59 = tpu.memref_slice %arg2[%add3A_57, %dma_start3A_58] : memref<163840x128xf32, #tpu.memory_space<hbm>> -> memref<128x128xf32, #tpu.memory_space<hbm>>
      %dma_start3A_60 = arith.constant 0 : i32
      %dma_start3A_61 = tpu.memref_slice %arg2[%add3A_57, %dma_start3A_60] : memref<163840x128xf32, #tpu.memory_space<hbm>> -> memref<128x128xf32, #tpu.memory_space<hbm>>
      tpu.enqueue_dma source(%dma_start3A_61 : memref<128x128xf32, #tpu.memory_space<hbm>>) target(%arg7 : memref<128x128xf32, #tpu.memory_space<vmem>>) target_semaphore(%arg8 : memref<!tpu.dma_semaphore, #tpu.memory_space<semaphore_mem>>)
      %dma_wait3A_62 = arith.constant 0 : i32
      %dma_wait3A_63 = arith.constant 0 : i32
      %dma_wait3A_64 = tpu.memref_slice %arg2[%dma_wait3A_62, %dma_wait3A_63] : memref<163840x128xf32, #tpu.memory_space<hbm>> -> memref<128x128xf32, #tpu.memory_space<hbm>>
      %dma_wait3A_65 = arith.constant 0 : i32
      %dma_wait3A_66 = arith.constant 0 : i32
      %dma_wait3A_67 = tpu.memref_slice %arg2[%dma_wait3A_65, %dma_wait3A_66] : memref<163840x128xf32, #tpu.memory_space<hbm>> -> memref<128x128xf32, #tpu.memory_space<hbm>>
      tpu.wait_dma2 semaphore(%arg11 : memref<!tpu.dma_semaphore, #tpu.memory_space<semaphore_mem>>) src(%dma_wait3A_67 : memref<128x128xf32, #tpu.memory_space<hbm>>) dst(%arg10 : memref<128x128xf32, #tpu.memory_space<vmem>>)
      "tpu.region"() ({
        %run_scoped3A = tpu.sem_alloc : memref<!tpu.dma_semaphore, #tpu.memory_space<semaphore_mem>>
        %dma_start3A_68 = arith.constant 0 : i32
        %dma_start3A_69 = arith.constant 0 : i32
        %dma_start3A_70 = tpu.memref_slice %arg12[%dma_start3A_68, %dma_start3A_69] : memref<10624x128xf32, #tpu.memory_space<vmem_shared>> -> memref<10624x128xf32, #tpu.memory_space<vmem_shared>>
        tpu.enqueue_indirect_dma source(%arg10 : memref<128x128xf32, #tpu.memory_space<vmem>>) target(%dma_start3A_70 : memref<10624x128xf32, #tpu.memory_space<vmem_shared>>) offsets(%arg9 : memref<128xi32, #tpu.memory_space<vmem>>) semaphore(%run_scoped3A : memref<!tpu.dma_semaphore, #tpu.memory_space<semaphore_mem>>) {add = true}
        %dma_wait3A_71 = arith.constant 0 : i32
        %dma_wait3A_72 = arith.constant 0 : i32
        %dma_wait3A_73 = tpu.memref_slice %arg12[%dma_wait3A_71, %dma_wait3A_72] : memref<10624x128xf32, #tpu.memory_space<vmem_shared>> -> memref<10624x128xf32, #tpu.memory_space<vmem_shared>>
        tpu.wait_indirect_dma semaphore(%run_scoped3A : memref<!tpu.dma_semaphore, #tpu.memory_space<semaphore_mem>>) src(%arg10 : memref<128x128xf32, #tpu.memory_space<vmem>>) dst(%dma_wait3A_73 : memref<10624x128xf32, #tpu.memory_space<vmem_shared>>)
        tpu.yield
      }) : () -> ()
    }
    %scan3A_13 = arith.constant 19 : i32
    %add3A_14 = arith.constant 5120 : i32
    %add3A_15 = arith.addi %mul3A_2, %add3A_14 : i32
    %sub3A = arith.constant 128 : i32
    %sub3A_16 = arith.subi %add3A_15, %sub3A : i32
    "tpu.region"() ({
      %run_scoped3A = tpu.sem_alloc : memref<!tpu.dma_semaphore, #tpu.memory_space<semaphore_mem>>
      %dma_start3A_37 = tpu.memref_slice %arg3[%sub3A_16] : memref<163840xi32, #tpu.memory_space<hbm>> -> memref<128xi32, #tpu.memory_space<hbm>>
      %dma_start3A_38 = tpu.memref_slice %arg3[%sub3A_16] : memref<163840xi32, #tpu.memory_space<hbm>> -> memref<128xi32, #tpu.memory_space<hbm>>
      tpu.enqueue_dma source(%dma_start3A_38 : memref<128xi32, #tpu.memory_space<hbm>>) target(%arg9 : memref<128xi32, #tpu.memory_space<vmem>>) target_semaphore(%run_scoped3A : memref<!tpu.dma_semaphore, #tpu.memory_space<semaphore_mem>>)
      %dma_wait3A_39 = tpu.memref_slice %arg3[%sub3A_16] : memref<163840xi32, #tpu.memory_space<hbm>> -> memref<128xi32, #tpu.memory_space<hbm>>
      %dma_wait3A_40 = tpu.memref_slice %arg3[%sub3A_16] : memref<163840xi32, #tpu.memory_space<hbm>> -> memref<128xi32, #tpu.memory_space<hbm>>
      tpu.wait_dma2 semaphore(%run_scoped3A : memref<!tpu.dma_semaphore, #tpu.memory_space<semaphore_mem>>) src(%dma_wait3A_40 : memref<128xi32, #tpu.memory_space<hbm>>) dst(%arg9 : memref<128xi32, #tpu.memory_space<vmem>>)
      tpu.yield
    }) : () -> ()
    %dma_start3A_17 = arith.constant 0 : i32
    %dma_start3A_18 = tpu.memref_slice %arg2[%sub3A_16, %dma_start3A_17] : memref<163840x128xf32, #tpu.memory_space<hbm>> -> memref<128x128xf32, #tpu.memory_space<hbm>>
    %dma_start3A_19 = arith.constant 0 : i32
    %dma_start3A_20 = tpu.memref_slice %arg2[%sub3A_16, %dma_start3A_19] : memref<163840x128xf32, #tpu.memory_space<hbm>> -> memref<128x128xf32, #tpu.memory_space<hbm>>
    tpu.enqueue_dma source(%dma_start3A_20 : memref<128x128xf32, #tpu.memory_space<hbm>>) target(%arg10 : memref<128x128xf32, #tpu.memory_space<vmem>>) target_semaphore(%arg11 : memref<!tpu.dma_semaphore, #tpu.memory_space<semaphore_mem>>)
    %dma_wait3A = arith.constant 0 : i32
    %dma_wait3A_21 = arith.constant 0 : i32
    %dma_wait3A_22 = tpu.memref_slice %arg2[%dma_wait3A, %dma_wait3A_21] : memref<163840x128xf32, #tpu.memory_space<hbm>> -> memref<128x128xf32, #tpu.memory_space<hbm>>
    %dma_wait3A_23 = arith.constant 0 : i32
    %dma_wait3A_24 = arith.constant 0 : i32
    %dma_wait3A_25 = tpu.memref_slice %arg2[%dma_wait3A_23, %dma_wait3A_24] : memref<163840x128xf32, #tpu.memory_space<hbm>> -> memref<128x128xf32, #tpu.memory_space<hbm>>
    tpu.wait_dma2 semaphore(%arg8 : memref<!tpu.dma_semaphore, #tpu.memory_space<semaphore_mem>>) src(%dma_wait3A_25 : memref<128x128xf32, #tpu.memory_space<hbm>>) dst(%arg7 : memref<128x128xf32, #tpu.memory_space<vmem>>)
    "tpu.region"() ({
      %run_scoped3A = tpu.sem_alloc : memref<!tpu.dma_semaphore, #tpu.memory_space<semaphore_mem>>
      %dma_start3A_37 = arith.constant 0 : i32
      %dma_start3A_38 = arith.constant 0 : i32
      %dma_start3A_39 = tpu.memref_slice %arg12[%dma_start3A_37, %dma_start3A_38] : memref<10624x128xf32, #tpu.memory_space<vmem_shared>> -> memref<10624x128xf32, #tpu.memory_space<vmem_shared>>
      tpu.enqueue_indirect_dma source(%arg7 : memref<128x128xf32, #tpu.memory_space<vmem>>) target(%dma_start3A_39 : memref<10624x128xf32, #tpu.memory_space<vmem_shared>>) offsets(%arg6 : memref<128xi32, #tpu.memory_space<vmem>>) semaphore(%run_scoped3A : memref<!tpu.dma_semaphore, #tpu.memory_space<semaphore_mem>>) {add = true}
      %dma_wait3A_40 = arith.constant 0 : i32
      %dma_wait3A_41 = arith.constant 0 : i32
      %dma_wait3A_42 = tpu.memref_slice %arg12[%dma_wait3A_40, %dma_wait3A_41] : memref<10624x128xf32, #tpu.memory_space<vmem_shared>> -> memref<10624x128xf32, #tpu.memory_space<vmem_shared>>
      tpu.wait_indirect_dma semaphore(%run_scoped3A : memref<!tpu.dma_semaphore, #tpu.memory_space<semaphore_mem>>) src(%arg7 : memref<128x128xf32, #tpu.memory_space<vmem>>) dst(%dma_wait3A_42 : memref<10624x128xf32, #tpu.memory_space<vmem_shared>>)
      tpu.yield
    }) : () -> ()
    %dma_wait3A_26 = arith.constant 0 : i32
    %dma_wait3A_27 = arith.constant 0 : i32
    %dma_wait3A_28 = tpu.memref_slice %arg2[%dma_wait3A_26, %dma_wait3A_27] : memref<163840x128xf32, #tpu.memory_space<hbm>> -> memref<128x128xf32, #tpu.memory_space<hbm>>
    %dma_wait3A_29 = arith.constant 0 : i32
    %dma_wait3A_30 = arith.constant 0 : i32
    %dma_wait3A_31 = tpu.memref_slice %arg2[%dma_wait3A_29, %dma_wait3A_30] : memref<163840x128xf32, #tpu.memory_space<hbm>> -> memref<128x128xf32, #tpu.memory_space<hbm>>
    tpu.wait_dma2 semaphore(%arg11 : memref<!tpu.dma_semaphore, #tpu.memory_space<semaphore_mem>>) src(%dma_wait3A_31 : memref<128x128xf32, #tpu.memory_space<hbm>>) dst(%arg10 : memref<128x128xf32, #tpu.memory_space<vmem>>)
    "tpu.region"() ({
      %run_scoped3A = tpu.sem_alloc : memref<!tpu.dma_semaphore, #tpu.memory_space<semaphore_mem>>
      %dma_start3A_37 = arith.constant 0 : i32
      %dma_start3A_38 = arith.constant 0 : i32
      %dma_start3A_39 = tpu.memref_slice %arg12[%dma_start3A_37, %dma_start3A_38] : memref<10624x128xf32, #tpu.memory_space<vmem_shared>> -> memref<10624x128xf32, #tpu.memory_space<vmem_shared>>
      tpu.enqueue_indirect_dma source(%arg10 : memref<128x128xf32, #tpu.memory_space<vmem>>) target(%dma_start3A_39 : memref<10624x128xf32, #tpu.memory_space<vmem_shared>>) offsets(%arg9 : memref<128xi32, #tpu.memory_space<vmem>>) semaphore(%run_scoped3A : memref<!tpu.dma_semaphore, #tpu.memory_space<semaphore_mem>>) {add = true}
      %dma_wait3A_40 = arith.constant 0 : i32
      %dma_wait3A_41 = arith.constant 0 : i32
      %dma_wait3A_42 = tpu.memref_slice %arg12[%dma_wait3A_40, %dma_wait3A_41] : memref<10624x128xf32, #tpu.memory_space<vmem_shared>> -> memref<10624x128xf32, #tpu.memory_space<vmem_shared>>
      tpu.wait_indirect_dma semaphore(%run_scoped3A : memref<!tpu.dma_semaphore, #tpu.memory_space<semaphore_mem>>) src(%arg10 : memref<128x128xf32, #tpu.memory_space<vmem>>) dst(%dma_wait3A_42 : memref<10624x128xf32, #tpu.memory_space<vmem_shared>>)
      tpu.yield
    }) : () -> ()
    %barrier3A_32 = arith.constant 0 : index
    tpu.barrier barrier_id(%barrier3A_32)
    %mul3A_33 = arith.constant 664 : i32
    %mul3A_34 = arith.muli %arg1, %mul3A_33 : i32
    %mul3A_35 = arith.constant 664 : i32
    %mul3A_36 = arith.muli %arg1, %mul3A_35 : i32
    "tpu.region"() ({
      %run_scoped3A = tpu.sem_alloc : memref<!tpu.dma_semaphore, #tpu.memory_space<semaphore_mem>>
      %dma_start3A_37 = arith.constant 0 : i32
      %dma_start3A_38 = arith.constant 0 : i32
      %dma_start3A_39 = tpu.memref_slice %arg5[%arg0, %dma_start3A_37, %dma_start3A_38] : memref<2x10624x128xf32, #tpu.memory_space<hbm>> -> memref<1x10624x128xf32, #tpu.memory_space<hbm>>
      %dma_start3A_40 = tpu.memref_squeeze %dma_start3A_39 : memref<1x10624x128xf32, #tpu.memory_space<hbm>> -> memref<10624x128xf32, #tpu.memory_space<hbm>>
      %dma_start3A_41 = arith.constant 0 : i32
      %dma_start3A_42 = tpu.memref_slice %dma_start3A_40[%mul3A_36, %dma_start3A_41] : memref<10624x128xf32, #tpu.memory_space<hbm>> -> memref<664x128xf32, #tpu.memory_space<hbm>>
      %dma_start3A_43 = arith.constant 0 : i32
      %dma_start3A_44 = tpu.memref_slice %arg12[%mul3A_34, %dma_start3A_43] : memref<10624x128xf32, #tpu.memory_space<vmem_shared>> -> memref<664x128xf32, #tpu.memory_space<vmem_shared>>
      tpu.enqueue_dma source(%dma_start3A_44 : memref<664x128xf32, #tpu.memory_space<vmem_shared>>) target(%dma_start3A_42 : memref<664x128xf32, #tpu.memory_space<hbm>>) target_semaphore(%run_scoped3A : memref<!tpu.dma_semaphore, #tpu.memory_space<semaphore_mem>>)
      %dma_wait3A_45 = arith.constant 0 : i32
      %dma_wait3A_46 = arith.constant 0 : i32
      %dma_wait3A_47 = tpu.memref_slice %arg5[%arg0, %dma_wait3A_45, %dma_wait3A_46] : memref<2x10624x128xf32, #tpu.memory_space<hbm>> -> memref<1x10624x128xf32, #tpu.memory_space<hbm>>
      %dma_wait3A_48 = tpu.memref_squeeze %dma_wait3A_47 : memref<1x10624x128xf32, #tpu.memory_space<hbm>> -> memref<10624x128xf32, #tpu.memory_space<hbm>>
      %dma_wait3A_49 = arith.constant 0 : i32
      %dma_wait3A_50 = tpu.memref_slice %dma_wait3A_48[%mul3A_36, %dma_wait3A_49] : memref<10624x128xf32, #tpu.memory_space<hbm>> -> memref<664x128xf32, #tpu.memory_space<hbm>>
      %dma_wait3A_51 = arith.constant 0 : i32
      %dma_wait3A_52 = tpu.memref_slice %arg12[%mul3A_34, %dma_wait3A_51] : memref<10624x128xf32, #tpu.memory_space<vmem_shared>> -> memref<664x128xf32, #tpu.memory_space<vmem_shared>>
      tpu.wait_dma2 semaphore(%run_scoped3A : memref<!tpu.dma_semaphore, #tpu.memory_space<semaphore_mem>>) src(%dma_wait3A_52 : memref<664x128xf32, #tpu.memory_space<vmem_shared>>) dst(%dma_wait3A_50 : memref<664x128xf32, #tpu.memory_space<hbm>>)
      tpu.yield
    }) : () -> ()
    return
  }
}

module attributes {stable_mosaic.version = 14 : i64} {
  func.func @_proj_body(%arg0: i32, %arg1: memref<2000x128xf32, #tpu.memory_space<vmem>>, %arg2: memref<2000x128xf32, #tpu.memory_space<vmem>>, %arg3: memref<128x128xf32, #tpu.memory_space<vmem>>, %arg4: memref<128x128xf32, #tpu.memory_space<vmem>>, %arg5: memref<2000x128xf32, #tpu.memory_space<vmem>>, %arg6: memref<2000x128xf32, #tpu.memory_space<vmem>>) attributes {dimension_semantics = [#tpu.dimension_semantics<parallel>], iteration_bounds = array<i64: 5>, scalar_prefetch = 0 : i64, scratch_operands = 0 : i64, tpu.core_type = #tpu.core_type<tc>, window_params = [{transform_indices = @transform_0, window_bounds = array<i64: 2000, 128>}, {transform_indices = @transform_1, window_bounds = array<i64: 2000, 128>}, {pipeline_mode = #tpu.pipeline_mode<synchronous>, transform_indices = @transform_2, window_bounds = array<i64: 128, 128>}, {pipeline_mode = #tpu.pipeline_mode<synchronous>, transform_indices = @transform_3, window_bounds = array<i64: 128, 128>}, {transform_indices = @transform_4, window_bounds = array<i64: 2000, 128>}, {transform_indices = @transform_5, window_bounds = array<i64: 2000, 128>}]} {
    %get3A = arith.constant 0 : index
    %get3A_0 = arith.constant 0 : index
    %get3A_1 = vector.load %arg1[%get3A, %get3A_0] : memref<2000x128xf32, #tpu.memory_space<vmem>>, vector<2000x128xf32>
    %get3A_2 = arith.constant 0 : index
    %get3A_3 = arith.constant 0 : index
    %get3A_4 = vector.load %arg3[%get3A_2, %get3A_3] : memref<128x128xf32, #tpu.memory_space<vmem>>, vector<128x128xf32>
    %convert_element_type3A = arith.truncf %get3A_1 : vector<2000x128xf32> to vector<2000x128xbf16>
    %convert_element_type3A_5 = arith.truncf %get3A_4 : vector<128x128xf32> to vector<128x128xbf16>
    %dot_general3A = arith.constant dense<0.000000e+00> : vector<2000x128xf32>
    %dot_general3A_6 = tpu.matmul %convert_element_type3A, %convert_element_type3A_5, %dot_general3A {dimension_numbers = #tpu.dot_dimension_numbers<[1], [0], [0], [1], [0, 0, 1, 1], [], []>, transpose_lhs_hint = false} : vector<2000x128xbf16>, vector<128x128xbf16>, vector<2000x128xf32> -> vector<2000x128xf32>
    %swap3A = arith.constant 0 : index
    %swap3A_7 = arith.constant 0 : index
    %swap3A_8 = vector.load %arg5[%swap3A, %swap3A_7] : memref<2000x128xf32, #tpu.memory_space<vmem>>, vector<2000x128xf32>
    tpu.vector_store %arg5[%swap3A, %swap3A_7], %dot_general3A_6 {strides = array<i32>} : memref<2000x128xf32, #tpu.memory_space<vmem>>, vector<2000x128xf32>,
    %get3A_9 = arith.constant 0 : index
    %get3A_10 = arith.constant 0 : index
    %get3A_11 = vector.load %arg2[%get3A_9, %get3A_10] : memref<2000x128xf32, #tpu.memory_space<vmem>>, vector<2000x128xf32>
    %get3A_12 = arith.constant 0 : index
    %get3A_13 = arith.constant 0 : index
    %get3A_14 = vector.load %arg4[%get3A_12, %get3A_13] : memref<128x128xf32, #tpu.memory_space<vmem>>, vector<128x128xf32>
    %convert_element_type3A_15 = arith.truncf %get3A_11 : vector<2000x128xf32> to vector<2000x128xbf16>
    %convert_element_type3A_16 = arith.truncf %get3A_14 : vector<128x128xf32> to vector<128x128xbf16>
    %dot_general3A_17 = arith.constant dense<0.000000e+00> : vector<2000x128xf32>
    %dot_general3A_18 = tpu.matmul %convert_element_type3A_15, %convert_element_type3A_16, %dot_general3A_17 {dimension_numbers = #tpu.dot_dimension_numbers<[1], [0], [0], [1], [0, 0, 1, 1], [], []>, transpose_lhs_hint = false} : vector<2000x128xbf16>, vector<128x128xbf16>, vector<2000x128xf32> -> vector<2000x128xf32>
    %swap3A_19 = arith.constant 0 : index
    %swap3A_20 = arith.constant 0 : index
    %swap3A_21 = vector.load %arg6[%swap3A_19, %swap3A_20] : memref<2000x128xf32, #tpu.memory_space<vmem>>, vector<2000x128xf32>
    tpu.vector_store %arg6[%swap3A_19, %swap3A_20], %dot_general3A_18 {strides = array<i32>} : memref<2000x128xf32, #tpu.memory_space<vmem>>, vector<2000x128xf32>,
    return
  }
  func.func @transform_0(%arg0: i32) -> (i32, i32) {
    %c0_i32 = arith.constant 0 : i32
    %c0_i32_0 = arith.constant 0 : i32
    return %arg0, %c0_i32 : i32, i32
  }
  func.func @transform_1(%arg0: i32) -> (i32, i32) {
    %c0_i32 = arith.constant 0 : i32
    %c0_i32_0 = arith.constant 0 : i32
    return %arg0, %c0_i32 : i32, i32
  }
  func.func @transform_2(%arg0: i32) -> (i32, i32) {
    %c0_i32 = arith.constant 0 : i32
    %c0_i32_0 = arith.constant 0 : i32
    %c0_i32_1 = arith.constant 0 : i32
    return %c0_i32, %c0_i32_0 : i32, i32
  }
  func.func @transform_3(%arg0: i32) -> (i32, i32) {
    %c0_i32 = arith.constant 0 : i32
    %c0_i32_0 = arith.constant 0 : i32
    %c0_i32_1 = arith.constant 0 : i32
    return %c0_i32, %c0_i32_0 : i32, i32
  }
  func.func @transform_4(%arg0: i32) -> (i32, i32) {
    %c0_i32 = arith.constant 0 : i32
    %c0_i32_0 = arith.constant 0 : i32
    return %arg0, %c0_i32 : i32, i32
  }
  func.func @transform_5(%arg0: i32) -> (i32, i32) {
    %c0_i32 = arith.constant 0 : i32
    %c0_i32_0 = arith.constant 0 : i32
    return %arg0, %c0_i32 : i32, i32
  }
}

module attributes {stable_mosaic.version = 14 : i64} {
  func.func @_edge_body(%arg0: i32, %arg1: memref<1024x4xf32, #tpu.memory_space<vmem>>, %arg2: memref<1024x128xf32, #tpu.memory_space<vmem>>, %arg3: memref<1024x128xf32, #tpu.memory_space<vmem>>, %arg4: memref<4x128xf32, #tpu.memory_space<vmem>>, %arg5: memref<1x128xf32, #tpu.memory_space<vmem>>, %arg6: memref<128x128xf32, #tpu.memory_space<vmem>>, %arg7: memref<1x128xf32, #tpu.memory_space<vmem>>, %arg8: memref<128x128xf32, #tpu.memory_space<vmem>>, %arg9: memref<1x128xf32, #tpu.memory_space<vmem>>, %arg10: memref<128x128xf32, #tpu.memory_space<vmem>>, %arg11: memref<1x128xf32, #tpu.memory_space<vmem>>, %arg12: memref<1024x128xf32, #tpu.memory_space<vmem>>) attributes {dimension_semantics = [#tpu.dimension_semantics<parallel>], iteration_bounds = array<i64: 160>, scalar_prefetch = 0 : i64, scratch_operands = 0 : i64, tpu.core_type = #tpu.core_type<tc>, window_params = [{transform_indices = @transform_0, window_bounds = array<i64: 1024, 4>}, {transform_indices = @transform_1, window_bounds = array<i64: 1024, 128>}, {transform_indices = @transform_2, window_bounds = array<i64: 1024, 128>}, {pipeline_mode = #tpu.pipeline_mode<synchronous>, transform_indices = @transform_3, window_bounds = array<i64: 4, 128>}, {pipeline_mode = #tpu.pipeline_mode<synchronous>, transform_indices = @transform_4, window_bounds = array<i64: 1, 128>}, {pipeline_mode = #tpu.pipeline_mode<synchronous>, transform_indices = @transform_5, window_bounds = array<i64: 128, 128>}, {pipeline_mode = #tpu.pipeline_mode<synchronous>, transform_indices = @transform_6, window_bounds = array<i64: 1, 128>}, {pipeline_mode = #tpu.pipeline_mode<synchronous>, transform_indices = @transform_7, window_bounds = array<i64: 128, 128>}, {pipeline_mode = #tpu.pipeline_mode<synchronous>, transform_indices = @transform_8, window_bounds = array<i64: 1, 128>}, {pipeline_mode = #tpu.pipeline_mode<synchronous>, transform_indices = @transform_9, window_bounds = array<i64: 128, 128>}, {pipeline_mode = #tpu.pipeline_mode<synchronous>, transform_indices = @transform_10, window_bounds = array<i64: 1, 128>}, {transform_indices = @transform_11, window_bounds = array<i64: 1024, 128>}]} {
    %get3A = arith.constant 0 : index
    %get3A_0 = arith.constant 0 : index
    %get3A_1 = vector.load %arg1[%get3A, %get3A_0] : memref<1024x4xf32, #tpu.memory_space<vmem>>, vector<1024x4xf32>
    %get3A_2 = arith.constant 0 : index
    %get3A_3 = arith.constant 0 : index
    %get3A_4 = vector.load %arg4[%get3A_2, %get3A_3] : memref<4x128xf32, #tpu.memory_space<vmem>>, vector<4x128xf32>
    %dot_general3A = arith.constant dense<0.000000e+00> : vector<1024x128xf32>
    %dot_general3A_5 = tpu.matmul %get3A_1, %get3A_4, %dot_general3A {dimension_numbers = #tpu.dot_dimension_numbers<[1], [0], [0], [1], [0, 0, 1, 1], [], []>, transpose_lhs_hint = false} : vector<1024x4xf32>, vector<4x128xf32>, vector<1024x128xf32> -> vector<1024x128xf32>
    %get3A_6 = arith.constant 0 : index
    %get3A_7 = arith.constant 0 : index
    %get3A_8 = vector.load %arg5[%get3A_6, %get3A_7] : memref<1x128xf32, #tpu.memory_space<vmem>>, vector<1x128xf32>
    %add3A = vector.broadcast %get3A_8 : vector<1x128xf32> to vector<1024x128xf32>
    %add3A_9 = arith.addf %dot_general3A_5, %add3A : vector<1024x128xf32>
    %logistic3A = arith.negf %add3A_9 : vector<1024x128xf32>
    %logistic3A_10 = math.exp %logistic3A : vector<1024x128xf32>
    %logistic3A_11 = arith.constant 1.000000e+00 : f32
    %logistic3A_12 = vector.broadcast %logistic3A_11 : f32 to vector<1024x128xf32>
    %logistic3A_13 = arith.addf %logistic3A_12, %logistic3A_10 : vector<1024x128xf32>
    %logistic3A_14 = arith.divf %logistic3A_12, %logistic3A_13 : vector<1024x128xf32>
    %mul3A = arith.mulf %add3A_9, %logistic3A_14 : vector<1024x128xf32>
    %get3A_15 = arith.constant 0 : index
    %get3A_16 = arith.constant 0 : index
    %get3A_17 = vector.load %arg6[%get3A_15, %get3A_16] : memref<128x128xf32, #tpu.memory_space<vmem>>, vector<128x128xf32>
    %convert_element_type3A = arith.truncf %mul3A : vector<1024x128xf32> to vector<1024x128xbf16>
    %convert_element_type3A_18 = arith.truncf %get3A_17 : vector<128x128xf32> to vector<128x128xbf16>
    %dot_general3A_19 = arith.constant dense<0.000000e+00> : vector<1024x128xf32>
    %dot_general3A_20 = tpu.matmul %convert_element_type3A, %convert_element_type3A_18, %dot_general3A_19 {dimension_numbers = #tpu.dot_dimension_numbers<[1], [0], [0], [1], [0, 0, 1, 1], [], []>, transpose_lhs_hint = false} : vector<1024x128xbf16>, vector<128x128xbf16>, vector<1024x128xf32> -> vector<1024x128xf32>
    %get3A_21 = arith.constant 0 : index
    %get3A_22 = arith.constant 0 : index
    %get3A_23 = vector.load %arg7[%get3A_21, %get3A_22] : memref<1x128xf32, #tpu.memory_space<vmem>>, vector<1x128xf32>
    %add3A_24 = vector.broadcast %get3A_23 : vector<1x128xf32> to vector<1024x128xf32>
    %add3A_25 = arith.addf %dot_general3A_20, %add3A_24 : vector<1024x128xf32>
    %reduce_sum3A = arith.constant dense<0.000000e+00> : vector<1024xf32>
    %reduce_sum3A_26 = vector.multi_reduction <add>, %add3A_25, %reduce_sum3A [1] : vector<1024x128xf32> to vector<1024xf32>
    %broadcast_in_dim3A = vector.shape_cast %reduce_sum3A_26 : vector<1024xf32> to vector<1024x1xf32>
    %div3A = arith.constant 1.280000e+02 : f32
    %div3A_27 = vector.broadcast %div3A : f32 to vector<1024x1xf32>
    %div3A_28 = arith.divf %broadcast_in_dim3A, %div3A_27 : vector<1024x1xf32>
    %jit3A = arith.constant 0 : i32
    %reduce_sum3A_29 = arith.constant dense<0.000000e+00> : vector<1024xf32>
    %reduce_sum3A_30 = vector.multi_reduction <add>, %add3A_25, %reduce_sum3A_29 [1] : vector<1024x128xf32> to vector<1024xf32>
    %broadcast_in_dim3A_31 = vector.shape_cast %reduce_sum3A_30 : vector<1024xf32> to vector<1024x1xf32>
    %div3A_32 = arith.constant 1.280000e+02 : f32
    %div3A_33 = vector.broadcast %div3A_32 : f32 to vector<1024x1xf32>
    %div3A_34 = arith.divf %broadcast_in_dim3A_31, %div3A_33 : vector<1024x1xf32>
    %sub3A = vector.broadcast %div3A_34 : vector<1024x1xf32> to vector<1024x128xf32>
    %sub3A_35 = arith.subf %add3A_25, %sub3A : vector<1024x128xf32>
    %square3A = arith.mulf %sub3A_35, %sub3A_35 : vector<1024x128xf32>
    %convert_element_type3A_36 = arith.sitofp %jit3A : i32 to f32
    %sub3A_37 = arith.constant 1.280000e+02 : f32
    %sub3A_38 = arith.subf %sub3A_37, %convert_element_type3A_36 : f32
    %reduce_sum3A_39 = arith.constant dense<0.000000e+00> : vector<1024xf32>
    %reduce_sum3A_40 = vector.multi_reduction <add>, %square3A, %reduce_sum3A_39 [1] : vector<1024x128xf32> to vector<1024xf32>
    %broadcast_in_dim3A_41 = vector.shape_cast %reduce_sum3A_40 : vector<1024xf32> to vector<1024x1xf32>
    %div3A_42 = vector.broadcast %sub3A_38 : f32 to vector<1024x1xf32>
    %div3A_43 = arith.divf %broadcast_in_dim3A_41, %div3A_42 : vector<1024x1xf32>
    %gt3A = arith.constant 0.000000e+00 : f32
    %gt3A_44 = arith.cmpf ogt, %sub3A_38, %gt3A : f32
    %jit3A_45 = arith.constant 0x7FC00000 : f32
    %broadcast_in_dim3A_46 = vector.broadcast %jit3A_45 : f32 to vector<1024x1xf32>
    %select_n3A = arith.select %gt3A_44, %div3A_43, %broadcast_in_dim3A_46 : vector<1024x1xf32>
    %sub3A_47 = vector.broadcast %div3A_28 : vector<1024x1xf32> to vector<1024x128xf32>
    %sub3A_48 = arith.subf %add3A_25, %sub3A_47 : vector<1024x128xf32>
    %add3A_49 = arith.constant 9.99999974E-6 : f32
    %add3A_50 = vector.broadcast %add3A_49 : f32 to vector<1024x1xf32>
    %add3A_51 = arith.addf %select_n3A, %add3A_50 : vector<1024x1xf32>
    %rsqrt3A = math.rsqrt %add3A_51 : vector<1024x1xf32>
    %mul3A_52 = vector.broadcast %rsqrt3A : vector<1024x1xf32> to vector<1024x128xf32>
    %mul3A_53 = arith.mulf %sub3A_48, %mul3A_52 : vector<1024x128xf32>
    %get3A_54 = arith.constant 0 : index
    %get3A_55 = arith.constant 0 : index
    %get3A_56 = vector.load %arg8[%get3A_54, %get3A_55] : memref<128x128xf32, #tpu.memory_space<vmem>>, vector<128x128xf32>
    %convert_element_type3A_57 = arith.truncf %mul3A_53 : vector<1024x128xf32> to vector<1024x128xbf16>
    %convert_element_type3A_58 = arith.truncf %get3A_56 : vector<128x128xf32> to vector<128x128xbf16>
    %dot_general3A_59 = arith.constant dense<0.000000e+00> : vector<1024x128xf32>
    %dot_general3A_60 = tpu.matmul %convert_element_type3A_57, %convert_element_type3A_58, %dot_general3A_59 {dimension_numbers = #tpu.dot_dimension_numbers<[1], [0], [0], [1], [0, 0, 1, 1], [], []>, transpose_lhs_hint = false} : vector<1024x128xbf16>, vector<128x128xbf16>, vector<1024x128xf32> -> vector<1024x128xf32>
    %get3A_61 = arith.constant 0 : index
    %get3A_62 = arith.constant 0 : index
    %get3A_63 = vector.load %arg2[%get3A_61, %get3A_62] : memref<1024x128xf32, #tpu.memory_space<vmem>>, vector<1024x128xf32>
    %add3A_64 = arith.addf %dot_general3A_60, %get3A_63 : vector<1024x128xf32>
    %get3A_65 = arith.constant 0 : index
    %get3A_66 = arith.constant 0 : index
    %get3A_67 = vector.load %arg3[%get3A_65, %get3A_66] : memref<1024x128xf32, #tpu.memory_space<vmem>>, vector<1024x128xf32>
    %add3A_68 = arith.addf %add3A_64, %get3A_67 : vector<1024x128xf32>
    %get3A_69 = arith.constant 0 : index
    %get3A_70 = arith.constant 0 : index
    %get3A_71 = vector.load %arg9[%get3A_69, %get3A_70] : memref<1x128xf32, #tpu.memory_space<vmem>>, vector<1x128xf32>
    %add3A_72 = vector.broadcast %get3A_71 : vector<1x128xf32> to vector<1024x128xf32>
    %add3A_73 = arith.addf %add3A_68, %add3A_72 : vector<1024x128xf32>
    %logistic3A_74 = arith.negf %add3A_73 : vector<1024x128xf32>
    %logistic3A_75 = math.exp %logistic3A_74 : vector<1024x128xf32>
    %logistic3A_76 = arith.constant 1.000000e+00 : f32
    %logistic3A_77 = vector.broadcast %logistic3A_76 : f32 to vector<1024x128xf32>
    %logistic3A_78 = arith.addf %logistic3A_77, %logistic3A_75 : vector<1024x128xf32>
    %logistic3A_79 = arith.divf %logistic3A_77, %logistic3A_78 : vector<1024x128xf32>
    %mul3A_80 = arith.mulf %add3A_73, %logistic3A_79 : vector<1024x128xf32>
    %get3A_81 = arith.constant 0 : index
    %get3A_82 = arith.constant 0 : index
    %get3A_83 = vector.load %arg10[%get3A_81, %get3A_82] : memref<128x128xf32, #tpu.memory_space<vmem>>, vector<128x128xf32>
    %convert_element_type3A_84 = arith.truncf %mul3A_80 : vector<1024x128xf32> to vector<1024x128xbf16>
    %convert_element_type3A_85 = arith.truncf %get3A_83 : vector<128x128xf32> to vector<128x128xbf16>
    %dot_general3A_86 = arith.constant dense<0.000000e+00> : vector<1024x128xf32>
    %dot_general3A_87 = tpu.matmul %convert_element_type3A_84, %convert_element_type3A_85, %dot_general3A_86 {dimension_numbers = #tpu.dot_dimension_numbers<[1], [0], [0], [1], [0, 0, 1, 1], [], []>, transpose_lhs_hint = false} : vector<1024x128xbf16>, vector<128x128xbf16>, vector<1024x128xf32> -> vector<1024x128xf32>
    %get3A_88 = arith.constant 0 : index
    %get3A_89 = arith.constant 0 : index
    %get3A_90 = vector.load %arg11[%get3A_88, %get3A_89] : memref<1x128xf32, #tpu.memory_space<vmem>>, vector<1x128xf32>
    %add3A_91 = vector.broadcast %get3A_90 : vector<1x128xf32> to vector<1024x128xf32>
    %add3A_92 = arith.addf %dot_general3A_87, %add3A_91 : vector<1024x128xf32>
    %reduce_sum3A_93 = arith.constant dense<0.000000e+00> : vector<1024xf32>
    %reduce_sum3A_94 = vector.multi_reduction <add>, %add3A_92, %reduce_sum3A_93 [1] : vector<1024x128xf32> to vector<1024xf32>
    %broadcast_in_dim3A_95 = vector.shape_cast %reduce_sum3A_94 : vector<1024xf32> to vector<1024x1xf32>
    %div3A_96 = arith.constant 1.280000e+02 : f32
    %div3A_97 = vector.broadcast %div3A_96 : f32 to vector<1024x1xf32>
    %div3A_98 = arith.divf %broadcast_in_dim3A_95, %div3A_97 : vector<1024x1xf32>
    %jit3A_99 = arith.constant 0 : i32
    %reduce_sum3A_100 = arith.constant dense<0.000000e+00> : vector<1024xf32>
    %reduce_sum3A_101 = vector.multi_reduction <add>, %add3A_92, %reduce_sum3A_100 [1] : vector<1024x128xf32> to vector<1024xf32>
    %broadcast_in_dim3A_102 = vector.shape_cast %reduce_sum3A_101 : vector<1024xf32> to vector<1024x1xf32>
    %div3A_103 = arith.constant 1.280000e+02 : f32
    %div3A_104 = vector.broadcast %div3A_103 : f32 to vector<1024x1xf32>
    %div3A_105 = arith.divf %broadcast_in_dim3A_102, %div3A_104 : vector<1024x1xf32>
    %sub3A_106 = vector.broadcast %div3A_105 : vector<1024x1xf32> to vector<1024x128xf32>
    %sub3A_107 = arith.subf %add3A_92, %sub3A_106 : vector<1024x128xf32>
    %square3A_108 = arith.mulf %sub3A_107, %sub3A_107 : vector<1024x128xf32>
    %convert_element_type3A_109 = arith.sitofp %jit3A_99 : i32 to f32
    %sub3A_110 = arith.constant 1.280000e+02 : f32
    %sub3A_111 = arith.subf %sub3A_110, %convert_element_type3A_109 : f32
    %reduce_sum3A_112 = arith.constant dense<0.000000e+00> : vector<1024xf32>
    %reduce_sum3A_113 = vector.multi_reduction <add>, %square3A_108, %reduce_sum3A_112 [1] : vector<1024x128xf32> to vector<1024xf32>
    %broadcast_in_dim3A_114 = vector.shape_cast %reduce_sum3A_113 : vector<1024xf32> to vector<1024x1xf32>
    %div3A_115 = vector.broadcast %sub3A_111 : f32 to vector<1024x1xf32>
    %div3A_116 = arith.divf %broadcast_in_dim3A_114, %div3A_115 : vector<1024x1xf32>
    %gt3A_117 = arith.constant 0.000000e+00 : f32
    %gt3A_118 = arith.cmpf ogt, %sub3A_111, %gt3A_117 : f32
    %jit3A_119 = arith.constant 0x7FC00000 : f32
    %broadcast_in_dim3A_120 = vector.broadcast %jit3A_119 : f32 to vector<1024x1xf32>
    %select_n3A_121 = arith.select %gt3A_118, %div3A_116, %broadcast_in_dim3A_120 : vector<1024x1xf32>
    %sub3A_122 = vector.broadcast %div3A_98 : vector<1024x1xf32> to vector<1024x128xf32>
    %sub3A_123 = arith.subf %add3A_92, %sub3A_122 : vector<1024x128xf32>
    %add3A_124 = arith.constant 9.99999974E-6 : f32
    %add3A_125 = vector.broadcast %add3A_124 : f32 to vector<1024x1xf32>
    %add3A_126 = arith.addf %select_n3A_121, %add3A_125 : vector<1024x1xf32>
    %rsqrt3A_127 = math.rsqrt %add3A_126 : vector<1024x1xf32>
    %mul3A_128 = vector.broadcast %rsqrt3A_127 : vector<1024x1xf32> to vector<1024x128xf32>
    %mul3A_129 = arith.mulf %sub3A_123, %mul3A_128 : vector<1024x128xf32>
    %add3A_130 = arith.addf %mul3A_53, %mul3A_129 : vector<1024x128xf32>
    %swap3A = arith.constant 0 : index
    %swap3A_131 = arith.constant 0 : index
    %swap3A_132 = vector.load %arg12[%swap3A, %swap3A_131] : memref<1024x128xf32, #tpu.memory_space<vmem>>, vector<1024x128xf32>
    tpu.vector_store %arg12[%swap3A, %swap3A_131], %add3A_130 {strides = array<i32>} : memref<1024x128xf32, #tpu.memory_space<vmem>>, vector<1024x128xf32>,
    return
  }
  func.func @transform_0(%arg0: i32) -> (i32, i32) {
    %c0_i32 = arith.constant 0 : i32
    %c0_i32_0 = arith.constant 0 : i32
    return %arg0, %c0_i32 : i32, i32
  }
  func.func @transform_1(%arg0: i32) -> (i32, i32) {
    %c0_i32 = arith.constant 0 : i32
    %c0_i32_0 = arith.constant 0 : i32
    return %arg0, %c0_i32 : i32, i32
  }
  func.func @transform_2(%arg0: i32) -> (i32, i32) {
    %c0_i32 = arith.constant 0 : i32
    %c0_i32_0 = arith.constant 0 : i32
    return %arg0, %c0_i32 : i32, i32
  }
  func.func @transform_3(%arg0: i32) -> (i32, i32) {
    %c0_i32 = arith.constant 0 : i32
    %c0_i32_0 = arith.constant 0 : i32
    %c0_i32_1 = arith.constant 0 : i32
    return %c0_i32, %c0_i32_0 : i32, i32
  }
  func.func @transform_4(%arg0: i32) -> (i32, i32) {
    %c0_i32 = arith.constant 0 : i32
    %c0_i32_0 = arith.constant 0 : i32
    %c0_i32_1 = arith.constant 0 : i32
    return %c0_i32, %c0_i32_0 : i32, i32
  }
  func.func @transform_5(%arg0: i32) -> (i32, i32) {
    %c0_i32 = arith.constant 0 : i32
    %c0_i32_0 = arith.constant 0 : i32
    %c0_i32_1 = arith.constant 0 : i32
    return %c0_i32, %c0_i32_0 : i32, i32
  }
  func.func @transform_6(%arg0: i32) -> (i32, i32) {
    %c0_i32 = arith.constant 0 : i32
    %c0_i32_0 = arith.constant 0 : i32
    %c0_i32_1 = arith.constant 0 : i32
    return %c0_i32, %c0_i32_0 : i32, i32
  }
  func.func @transform_7(%arg0: i32) -> (i32, i32) {
    %c0_i32 = arith.constant 0 : i32
    %c0_i32_0 = arith.constant 0 : i32
    %c0_i32_1 = arith.constant 0 : i32
    return %c0_i32, %c0_i32_0 : i32, i32
  }
  func.func @transform_8(%arg0: i32) -> (i32, i32) {
    %c0_i32 = arith.constant 0 : i32
    %c0_i32_0 = arith.constant 0 : i32
    %c0_i32_1 = arith.constant 0 : i32
    return %c0_i32, %c0_i32_0 : i32, i32
  }
  func.func @transform_9(%arg0: i32) -> (i32, i32) {
    %c0_i32 = arith.constant 0 : i32
    %c0_i32_0 = arith.constant 0 : i32
    %c0_i32_1 = arith.constant 0 : i32
    return %c0_i32, %c0_i32_0 : i32, i32
  }
  func.func @transform_10(%arg0: i32) -> (i32, i32) {
    %c0_i32 = arith.constant 0 : i32
    %c0_i32_0 = arith.constant 0 : i32
    %c0_i32_1 = arith.constant 0 : i32
    return %c0_i32, %c0_i32_0 : i32, i32
  }
  func.func @transform_11(%arg0: i32) -> (i32, i32) {
    %c0_i32 = arith.constant 0 : i32
    %c0_i32_0 = arith.constant 0 : i32
    return %arg0, %c0_i32 : i32, i32
  }
}

module attributes {stable_mosaic.version = 14 : i64} {
  func.func @_node_body(%arg0: i32, %arg1: memref<2000x128xf32, #tpu.memory_space<vmem>>, %arg2: memref<2x2000x128xf32, #tpu.memory_space<vmem>>, %arg3: memref<2x2000x128xf32, #tpu.memory_space<vmem>>, %arg4: memref<128x128xf32, #tpu.memory_space<vmem>>, %arg5: memref<128x128xf32, #tpu.memory_space<vmem>>, %arg6: memref<1x128xf32, #tpu.memory_space<vmem>>, %arg7: memref<128x128xf32, #tpu.memory_space<vmem>>, %arg8: memref<1x128xf32, #tpu.memory_space<vmem>>, %arg9: memref<128x128xf32, #tpu.memory_space<vmem>>, %arg10: memref<1x128xf32, #tpu.memory_space<vmem>>, %arg11: memref<128x3xf32, #tpu.memory_space<vmem>>, %arg12: memref<1x3xf32, #tpu.memory_space<vmem>>, %arg13: memref<2000x3xf32, #tpu.memory_space<vmem>>) attributes {dimension_semantics = [#tpu.dimension_semantics<parallel>], iteration_bounds = array<i64: 5>, scalar_prefetch = 0 : i64, scratch_operands = 0 : i64, tpu.core_type = #tpu.core_type<tc>, window_params = [{transform_indices = @transform_0, window_bounds = array<i64: 2000, 128>}, {transform_indices = @transform_1, window_bounds = array<i64: 2, 2000, 128>}, {transform_indices = @transform_2, window_bounds = array<i64: 2, 2000, 128>}, {pipeline_mode = #tpu.pipeline_mode<synchronous>, transform_indices = @transform_3, window_bounds = array<i64: 128, 128>}, {pipeline_mode = #tpu.pipeline_mode<synchronous>, transform_indices = @transform_4, window_bounds = array<i64: 128, 128>}, {pipeline_mode = #tpu.pipeline_mode<synchronous>, transform_indices = @transform_5, window_bounds = array<i64: 1, 128>}, {pipeline_mode = #tpu.pipeline_mode<synchronous>, transform_indices = @transform_6, window_bounds = array<i64: 128, 128>}, {pipeline_mode = #tpu.pipeline_mode<synchronous>, transform_indices = @transform_7, window_bounds = array<i64: 1, 128>}, {pipeline_mode = #tpu.pipeline_mode<synchronous>, transform_indices = @transform_8, window_bounds = array<i64: 128, 128>}, {pipeline_mode = #tpu.pipeline_mode<synchronous>, transform_indices = @transform_9, window_bounds = array<i64: 1, 128>}, {pipeline_mode = #tpu.pipeline_mode<synchronous>, transform_indices = @transform_10, window_bounds = array<i64: 128, 3>}, {pipeline_mode = #tpu.pipeline_mode<synchronous>, transform_indices = @transform_11, window_bounds = array<i64: 1, 3>}, {transform_indices = @transform_12, window_bounds = array<i64: 2000, 3>}]} {
    %get3A = arith.constant 0 : index
    %get3A_0 = arith.constant 0 : index
    %get3A_1 = vector.load %arg1[%get3A, %get3A_0] : memref<2000x128xf32, #tpu.memory_space<vmem>>, vector<2000x128xf32>
    %get3A_2 = arith.constant 0 : index
    %get3A_3 = arith.constant 0 : index
    %get3A_4 = arith.constant 0 : index
    %get3A_5 = vector.load %arg2[%get3A_2, %get3A_3, %get3A_4] : memref<2x2000x128xf32, #tpu.memory_space<vmem>>, vector<1x2000x128xf32>
    %get3A_6 = vector.shape_cast %get3A_5 : vector<1x2000x128xf32> to vector<2000x128xf32>
    %get3A_7 = arith.constant 1 : index
    %get3A_8 = arith.constant 0 : index
    %get3A_9 = arith.constant 0 : index
    %get3A_10 = vector.load %arg2[%get3A_7, %get3A_8, %get3A_9] : memref<2x2000x128xf32, #tpu.memory_space<vmem>>, vector<1x2000x128xf32>
    %get3A_11 = vector.shape_cast %get3A_10 : vector<1x2000x128xf32> to vector<2000x128xf32>
    %add3A = arith.addf %get3A_6, %get3A_11 : vector<2000x128xf32>
    %get3A_12 = arith.constant 0 : index
    %get3A_13 = arith.constant 0 : index
    %get3A_14 = arith.constant 0 : index
    %get3A_15 = vector.load %arg3[%get3A_12, %get3A_13, %get3A_14] : memref<2x2000x128xf32, #tpu.memory_space<vmem>>, vector<1x2000x128xf32>
    %get3A_16 = vector.shape_cast %get3A_15 : vector<1x2000x128xf32> to vector<2000x128xf32>
    %get3A_17 = arith.constant 1 : index
    %get3A_18 = arith.constant 0 : index
    %get3A_19 = arith.constant 0 : index
    %get3A_20 = vector.load %arg3[%get3A_17, %get3A_18, %get3A_19] : memref<2x2000x128xf32, #tpu.memory_space<vmem>>, vector<1x2000x128xf32>
    %get3A_21 = vector.shape_cast %get3A_20 : vector<1x2000x128xf32> to vector<2000x128xf32>
    %add3A_22 = arith.addf %get3A_16, %get3A_21 : vector<2000x128xf32>
    %max3A = arith.constant 1.000000e+00 : f32
    %max3A_23 = vector.broadcast %max3A : f32 to vector<2000x128xf32>
    %max3A_24 = arith.maximumf %add3A_22, %max3A_23 : vector<2000x128xf32>
    %div3A = arith.divf %add3A, %max3A_24 : vector<2000x128xf32>
    %get3A_25 = arith.constant 0 : index
    %get3A_26 = arith.constant 0 : index
    %get3A_27 = vector.load %arg4[%get3A_25, %get3A_26] : memref<128x128xf32, #tpu.memory_space<vmem>>, vector<128x128xf32>
    %convert_element_type3A = arith.truncf %get3A_1 : vector<2000x128xf32> to vector<2000x128xbf16>
    %convert_element_type3A_28 = arith.truncf %get3A_27 : vector<128x128xf32> to vector<128x128xbf16>
    %dot_general3A = arith.constant dense<0.000000e+00> : vector<2000x128xf32>
    %dot_general3A_29 = tpu.matmul %convert_element_type3A, %convert_element_type3A_28, %dot_general3A {dimension_numbers = #tpu.dot_dimension_numbers<[1], [0], [0], [1], [0, 0, 1, 1], [], []>, transpose_lhs_hint = false} : vector<2000x128xbf16>, vector<128x128xbf16>, vector<2000x128xf32> -> vector<2000x128xf32>
    %get3A_30 = arith.constant 0 : index
    %get3A_31 = arith.constant 0 : index
    %get3A_32 = vector.load %arg5[%get3A_30, %get3A_31] : memref<128x128xf32, #tpu.memory_space<vmem>>, vector<128x128xf32>
    %convert_element_type3A_33 = arith.truncf %div3A : vector<2000x128xf32> to vector<2000x128xbf16>
    %convert_element_type3A_34 = arith.truncf %get3A_32 : vector<128x128xf32> to vector<128x128xbf16>
    %dot_general3A_35 = arith.constant dense<0.000000e+00> : vector<2000x128xf32>
    %dot_general3A_36 = tpu.matmul %convert_element_type3A_33, %convert_element_type3A_34, %dot_general3A_35 {dimension_numbers = #tpu.dot_dimension_numbers<[1], [0], [0], [1], [0, 0, 1, 1], [], []>, transpose_lhs_hint = false} : vector<2000x128xbf16>, vector<128x128xbf16>, vector<2000x128xf32> -> vector<2000x128xf32>
    %add3A_37 = arith.addf %dot_general3A_29, %dot_general3A_36 : vector<2000x128xf32>
    %get3A_38 = arith.constant 0 : index
    %get3A_39 = arith.constant 0 : index
    %get3A_40 = vector.load %arg6[%get3A_38, %get3A_39] : memref<1x128xf32, #tpu.memory_space<vmem>>, vector<1x128xf32>
    %add3A_41 = vector.broadcast %get3A_40 : vector<1x128xf32> to vector<2000x128xf32>
    %add3A_42 = arith.addf %add3A_37, %add3A_41 : vector<2000x128xf32>
    %logistic3A = arith.negf %add3A_42 : vector<2000x128xf32>
    %logistic3A_43 = math.exp %logistic3A : vector<2000x128xf32>
    %logistic3A_44 = arith.constant 1.000000e+00 : f32
    %logistic3A_45 = vector.broadcast %logistic3A_44 : f32 to vector<2000x128xf32>
    %logistic3A_46 = arith.addf %logistic3A_45, %logistic3A_43 : vector<2000x128xf32>
    %logistic3A_47 = arith.divf %logistic3A_45, %logistic3A_46 : vector<2000x128xf32>
    %mul3A = arith.mulf %add3A_42, %logistic3A_47 : vector<2000x128xf32>
    %get3A_48 = arith.constant 0 : index
    %get3A_49 = arith.constant 0 : index
    %get3A_50 = vector.load %arg7[%get3A_48, %get3A_49] : memref<128x128xf32, #tpu.memory_space<vmem>>, vector<128x128xf32>
    %convert_element_type3A_51 = arith.truncf %mul3A : vector<2000x128xf32> to vector<2000x128xbf16>
    %convert_element_type3A_52 = arith.truncf %get3A_50 : vector<128x128xf32> to vector<128x128xbf16>
    %dot_general3A_53 = arith.constant dense<0.000000e+00> : vector<2000x128xf32>
    %dot_general3A_54 = tpu.matmul %convert_element_type3A_51, %convert_element_type3A_52, %dot_general3A_53 {dimension_numbers = #tpu.dot_dimension_numbers<[1], [0], [0], [1], [0, 0, 1, 1], [], []>, transpose_lhs_hint = false} : vector<2000x128xbf16>, vector<128x128xbf16>, vector<2000x128xf32> -> vector<2000x128xf32>
    %get3A_55 = arith.constant 0 : index
    %get3A_56 = arith.constant 0 : index
    %get3A_57 = vector.load %arg8[%get3A_55, %get3A_56] : memref<1x128xf32, #tpu.memory_space<vmem>>, vector<1x128xf32>
    %add3A_58 = vector.broadcast %get3A_57 : vector<1x128xf32> to vector<2000x128xf32>
    %add3A_59 = arith.addf %dot_general3A_54, %add3A_58 : vector<2000x128xf32>
    %reduce_sum3A = arith.constant dense<0.000000e+00> : vector<2000xf32>
    %reduce_sum3A_60 = vector.multi_reduction <add>, %add3A_59, %reduce_sum3A [1] : vector<2000x128xf32> to vector<2000xf32>
    %broadcast_in_dim3A = vector.shape_cast %reduce_sum3A_60 : vector<2000xf32> to vector<2000x1xf32>
    %div3A_61 = arith.constant 1.280000e+02 : f32
    %div3A_62 = vector.broadcast %div3A_61 : f32 to vector<2000x1xf32>
    %div3A_63 = arith.divf %broadcast_in_dim3A, %div3A_62 : vector<2000x1xf32>
    %jit3A = arith.constant 0 : i32
    %reduce_sum3A_64 = arith.constant dense<0.000000e+00> : vector<2000xf32>
    %reduce_sum3A_65 = vector.multi_reduction <add>, %add3A_59, %reduce_sum3A_64 [1] : vector<2000x128xf32> to vector<2000xf32>
    %broadcast_in_dim3A_66 = vector.shape_cast %reduce_sum3A_65 : vector<2000xf32> to vector<2000x1xf32>
    %div3A_67 = arith.constant 1.280000e+02 : f32
    %div3A_68 = vector.broadcast %div3A_67 : f32 to vector<2000x1xf32>
    %div3A_69 = arith.divf %broadcast_in_dim3A_66, %div3A_68 : vector<2000x1xf32>
    %sub3A = vector.broadcast %div3A_69 : vector<2000x1xf32> to vector<2000x128xf32>
    %sub3A_70 = arith.subf %add3A_59, %sub3A : vector<2000x128xf32>
    %square3A = arith.mulf %sub3A_70, %sub3A_70 : vector<2000x128xf32>
    %convert_element_type3A_71 = arith.sitofp %jit3A : i32 to f32
    %sub3A_72 = arith.constant 1.280000e+02 : f32
    %sub3A_73 = arith.subf %sub3A_72, %convert_element_type3A_71 : f32
    %reduce_sum3A_74 = arith.constant dense<0.000000e+00> : vector<2000xf32>
    %reduce_sum3A_75 = vector.multi_reduction <add>, %square3A, %reduce_sum3A_74 [1] : vector<2000x128xf32> to vector<2000xf32>
    %broadcast_in_dim3A_76 = vector.shape_cast %reduce_sum3A_75 : vector<2000xf32> to vector<2000x1xf32>
    %div3A_77 = vector.broadcast %sub3A_73 : f32 to vector<2000x1xf32>
    %div3A_78 = arith.divf %broadcast_in_dim3A_76, %div3A_77 : vector<2000x1xf32>
    %gt3A = arith.constant 0.000000e+00 : f32
    %gt3A_79 = arith.cmpf ogt, %sub3A_73, %gt3A : f32
    %jit3A_80 = arith.constant 0x7FC00000 : f32
    %broadcast_in_dim3A_81 = vector.broadcast %jit3A_80 : f32 to vector<2000x1xf32>
    %select_n3A = arith.select %gt3A_79, %div3A_78, %broadcast_in_dim3A_81 : vector<2000x1xf32>
    %sub3A_82 = vector.broadcast %div3A_63 : vector<2000x1xf32> to vector<2000x128xf32>
    %sub3A_83 = arith.subf %add3A_59, %sub3A_82 : vector<2000x128xf32>
    %add3A_84 = arith.constant 9.99999974E-6 : f32
    %add3A_85 = vector.broadcast %add3A_84 : f32 to vector<2000x1xf32>
    %add3A_86 = arith.addf %select_n3A, %add3A_85 : vector<2000x1xf32>
    %rsqrt3A = math.rsqrt %add3A_86 : vector<2000x1xf32>
    %mul3A_87 = vector.broadcast %rsqrt3A : vector<2000x1xf32> to vector<2000x128xf32>
    %mul3A_88 = arith.mulf %sub3A_83, %mul3A_87 : vector<2000x128xf32>
    %add3A_89 = arith.addf %get3A_1, %mul3A_88 : vector<2000x128xf32>
    %get3A_90 = arith.constant 0 : index
    %get3A_91 = arith.constant 0 : index
    %get3A_92 = vector.load %arg9[%get3A_90, %get3A_91] : memref<128x128xf32, #tpu.memory_space<vmem>>, vector<128x128xf32>
    %convert_element_type3A_93 = arith.truncf %add3A_89 : vector<2000x128xf32> to vector<2000x128xbf16>
    %convert_element_type3A_94 = arith.truncf %get3A_92 : vector<128x128xf32> to vector<128x128xbf16>
    %dot_general3A_95 = arith.constant dense<0.000000e+00> : vector<2000x128xf32>
    %dot_general3A_96 = tpu.matmul %convert_element_type3A_93, %convert_element_type3A_94, %dot_general3A_95 {dimension_numbers = #tpu.dot_dimension_numbers<[1], [0], [0], [1], [0, 0, 1, 1], [], []>, transpose_lhs_hint = false} : vector<2000x128xbf16>, vector<128x128xbf16>, vector<2000x128xf32> -> vector<2000x128xf32>
    %get3A_97 = arith.constant 0 : index
    %get3A_98 = arith.constant 0 : index
    %get3A_99 = vector.load %arg10[%get3A_97, %get3A_98] : memref<1x128xf32, #tpu.memory_space<vmem>>, vector<1x128xf32>
    %add3A_100 = vector.broadcast %get3A_99 : vector<1x128xf32> to vector<2000x128xf32>
    %add3A_101 = arith.addf %dot_general3A_96, %add3A_100 : vector<2000x128xf32>
    %logistic3A_102 = arith.negf %add3A_101 : vector<2000x128xf32>
    %logistic3A_103 = math.exp %logistic3A_102 : vector<2000x128xf32>
    %logistic3A_104 = arith.constant 1.000000e+00 : f32
    %logistic3A_105 = vector.broadcast %logistic3A_104 : f32 to vector<2000x128xf32>
    %logistic3A_106 = arith.addf %logistic3A_105, %logistic3A_103 : vector<2000x128xf32>
    %logistic3A_107 = arith.divf %logistic3A_105, %logistic3A_106 : vector<2000x128xf32>
    %mul3A_108 = arith.mulf %add3A_101, %logistic3A_107 : vector<2000x128xf32>
    %get3A_109 = arith.constant 0 : index
    %get3A_110 = arith.constant 0 : index
    %get3A_111 = vector.load %arg11[%get3A_109, %get3A_110] : memref<128x3xf32, #tpu.memory_space<vmem>>, vector<128x3xf32>
    %convert_element_type3A_112 = arith.truncf %mul3A_108 : vector<2000x128xf32> to vector<2000x128xbf16>
    %convert_element_type3A_113 = arith.truncf %get3A_111 : vector<128x3xf32> to vector<128x3xbf16>
    %dot_general3A_114 = arith.constant dense<0.000000e+00> : vector<2000x3xf32>
    %dot_general3A_115 = tpu.matmul %convert_element_type3A_112, %convert_element_type3A_113, %dot_general3A_114 {dimension_numbers = #tpu.dot_dimension_numbers<[1], [0], [0], [1], [0, 0, 1, 1], [], []>, transpose_lhs_hint = false} : vector<2000x128xbf16>, vector<128x3xbf16>, vector<2000x3xf32> -> vector<2000x3xf32>
    %get3A_116 = arith.constant 0 : index
    %get3A_117 = arith.constant 0 : index
    %get3A_118 = vector.load %arg12[%get3A_116, %get3A_117] : memref<1x3xf32, #tpu.memory_space<vmem>>, vector<1x3xf32>
    %add3A_119 = vector.broadcast %get3A_118 : vector<1x3xf32> to vector<2000x3xf32>
    %add3A_120 = arith.addf %dot_general3A_115, %add3A_119 : vector<2000x3xf32>
    %swap3A = arith.constant 0 : index
    %swap3A_121 = arith.constant 0 : index
    %swap3A_122 = vector.load %arg13[%swap3A, %swap3A_121] : memref<2000x3xf32, #tpu.memory_space<vmem>>, vector<2000x3xf32>
    tpu.vector_store %arg13[%swap3A, %swap3A_121], %add3A_120 {strides = array<i32>} : memref<2000x3xf32, #tpu.memory_space<vmem>>, vector<2000x3xf32>,
    return
  }
  func.func @transform_0(%arg0: i32) -> (i32, i32) {
    %c0_i32 = arith.constant 0 : i32
    %c0_i32_0 = arith.constant 0 : i32
    return %arg0, %c0_i32 : i32, i32
  }
  func.func @transform_1(%arg0: i32) -> (i32, i32, i32) {
    %c0_i32 = arith.constant 0 : i32
    %c0_i32_0 = arith.constant 0 : i32
    %c0_i32_1 = arith.constant 0 : i32
    return %c0_i32, %arg0, %c0_i32_0 : i32, i32, i32
  }
  func.func @transform_2(%arg0: i32) -> (i32, i32, i32) {
    %c0_i32 = arith.constant 0 : i32
    %c0_i32_0 = arith.constant 0 : i32
    %c0_i32_1 = arith.constant 0 : i32
    return %c0_i32, %arg0, %c0_i32_0 : i32, i32, i32
  }
  func.func @transform_3(%arg0: i32) -> (i32, i32) {
    %c0_i32 = arith.constant 0 : i32
    %c0_i32_0 = arith.constant 0 : i32
    %c0_i32_1 = arith.constant 0 : i32
    return %c0_i32, %c0_i32_0 : i32, i32
  }
  func.func @transform_4(%arg0: i32) -> (i32, i32) {
    %c0_i32 = arith.constant 0 : i32
    %c0_i32_0 = arith.constant 0 : i32
    %c0_i32_1 = arith.constant 0 : i32
    return %c0_i32, %c0_i32_0 : i32, i32
  }
  func.func @transform_5(%arg0: i32) -> (i32, i32) {
    %c0_i32 = arith.constant 0 : i32
    %c0_i32_0 = arith.constant 0 : i32
    %c0_i32_1 = arith.constant 0 : i32
    return %c0_i32, %c0_i32_0 : i32, i32
  }
  func.func @transform_6(%arg0: i32) -> (i32, i32) {
    %c0_i32 = arith.constant 0 : i32
    %c0_i32_0 = arith.constant 0 : i32
    %c0_i32_1 = arith.constant 0 : i32
    return %c0_i32, %c0_i32_0 : i32, i32
  }
  func.func @transform_7(%arg0: i32) -> (i32, i32) {
    %c0_i32 = arith.constant 0 : i32
    %c0_i32_0 = arith.constant 0 : i32
    %c0_i32_1 = arith.constant 0 : i32
    return %c0_i32, %c0_i32_0 : i32, i32
  }
  func.func @transform_8(%arg0: i32) -> (i32, i32) {
    %c0_i32 = arith.constant 0 : i32
    %c0_i32_0 = arith.constant 0 : i32
    %c0_i32_1 = arith.constant 0 : i32
    return %c0_i32, %c0_i32_0 : i32, i32
  }
  func.func @transform_9(%arg0: i32) -> (i32, i32) {
    %c0_i32 = arith.constant 0 : i32
    %c0_i32_0 = arith.constant 0 : i32
    %c0_i32_1 = arith.constant 0 : i32
    return %c0_i32, %c0_i32_0 : i32, i32
  }
  func.func @transform_10(%arg0: i32) -> (i32, i32) {
    %c0_i32 = arith.constant 0 : i32
    %c0_i32_0 = arith.constant 0 : i32
    %c0_i32_1 = arith.constant 0 : i32
    return %c0_i32, %c0_i32_0 : i32, i32
  }
  func.func @transform_11(%arg0: i32) -> (i32, i32) {
    %c0_i32 = arith.constant 0 : i32
    %c0_i32_0 = arith.constant 0 : i32
    %c0_i32_1 = arith.constant 0 : i32
    return %c0_i32, %c0_i32_0 : i32, i32
  }
  func.func @transform_12(%arg0: i32) -> (i32, i32) {
    %c0_i32 = arith.constant 0 : i32
    %c0_i32_0 = arith.constant 0 : i32
    return %arg0, %c0_i32 : i32, i32
  }
}

</mosaic_0001>

<sc_bundles>
// kernel: kernel.11.cloned.1.call-start
scs
__scs_entry_jumppad:
0x0: {  	(pc) =	sbr.rel $0x88, $3  }
0x1: {  	(tag) =	ssettag $0x0;
	lr =	simm.s32 $0x1  }
0x2: {  	[smem:$0x3F8C] =	sst lr;
	_ =	strace $0xD0000000  }
0x3: {  	_ = 	snop  }
0x4: {  	_ = 	snop  }
0x5: {  	_ = 	snop  }
0x6: {  	_ = 	snop  }
0x7: {  	_ = 	snop  }
__scs_overlays_trampoline_lowered:
0x8: {  	[smem:$0x3F9B] =	sst s0  }
0x9: {  	[smem:$0x3F9C] =	sst s1  }
0xa: {  	[smem:$0x3F9D] =	sst s2  }
0xb: {  	[smem:$0x3F9E] =	sst s3  }
0xc: {  	[smem:$0x3F9F] =	sst s4  }
0xd: {  	[smem:$0x3FA0] =	sst s5  }
0xe: {  	[smem:$0x3FA1] =	sst s6  }
0xf: {  	[smem:$0x3FA2] =	sst s7  }
0x10: {  	[smem:$0x3FA3] =	sst s8  }
0x11: {  	[smem:$0x3FA4] =	sst s9;
	s0 =	simm.s32 @!p0 $0x0  }
0x12: {  	s1 =	sld [smem:$0x3F8A];
	s0 =	simm.s32 @p0 $0x1  }
0x13: {  	[smem:$0x3FA5] =	sst s0;
	s0 =	simm.s32 @!p1 $0x0  }
0x14: {  	s2 =	sld [smem:$0x3F89];
	s0 =	simm.s32 @p1 $0x1  }
0x15: {  	[smem:$0x3FA6] =	sst s0;
	s0 =	simm.s32 @!p2 $0x0  }
0x16: {  	s3 =	sld [smem:$0x3FDB];
	s0 =	simm.s32 @p2 $0x1  }
0x17: {  	s4 =	simm.s32 $0x1BF5;
	[smem:$0x3FA8] =	sst s0  }
0x18: {  	s0 =	sld [smem:$0x3F8B];
	_ =	swait.ge [sflag:s4], $0x0  }
0x19: {  	s7 =	sld [smem:$0x3F8C]  }
0x1a: {  	s8 =	sadd.s32 $0xFFFFE003, lr  }
0x1b: {  	s9 =	sadd.s32 $0xFFFFFEF7, lr;
	s5 =	simm.s32 $0xFFFFFFFF;
	p2 =	slt.u32 s8, $0xFFFFF086  }
0x1c: {  	p1 =	slt.u32 s9, $0xF7A;
	s5 =	simm.s32 @!p2 $0x0  }
0x1d: {  	s5 =	simm.s32 @p1 $0x1;
	p0 =	seq.s32 s7, s2  }
0x1e: {  	s7 =	smul.u32 @!p0 $0xF7A, s2;
	p2 =	seq.s32 @!p0 s5, $0x0  }
0x1f: {  	s9 =	smul.u32 $0xF7A, s1;
	s8 =	simm.s32 @!p0 $0x1BF5;
	p2 =	por !p2, p0  }
0x20: {  	[sflag:s8] =	ssyncset.s32 @!p0 $0xFFFFF086;
	s6 =	sadd.s32 @!p0 s3, s7;
	s7 =	simm.s32 @!p0 $0x108  }
0x21: {  	s3 =	sadd.s32 s3, s9;
	s6 =	sadd.s32 @!p0 $0x88, s6;
	s7 =	simm.s32 @p2 $0x1082  }
0x22: {  	[simem:s7], [sflag:s8] =	dma.local @!p0 [hbm:s6], $0xF7A  }
0x23: {  	s9 =	sor.u32 $0xD0000000, s2;
	s6 =	simm.s32 $0x108;
	_ =	swait.ge @!p0 [sflag:s8], $0x0  }
0x24: {  	s3 =	sadd.s32 $0x88, s3;
	s6 =	simm.s32 @!p1 $0x1082;
	[sflag:s4] =	ssyncset.s32 $0xFFFFF086  }
0x25: {  	[simem:s6], [sflag:s4] =	dma.local [hbm:s3], $0xF7A  }
0x26: {  	[smem:$0x3F8C] =	sst s1;
	(tag) =	ssettag s2;
	_ =	strace s9  }
0x27: {  	s1 =	sld [smem:$0x3F9C]  }
0x28: {  	s2 =	sld [smem:$0x3F9D]  }
0x29: {  	s4 =	sld [smem:$0x3F9F]  }
0x2a: {  	p0 =	seq.s32 s5, $0x0;
	s5 =	sld [smem:$0x3FA0]  }
0x2b: {  	s6 =	sld [smem:$0x3FA1]  }
0x2c: {  	s7 =	sld [smem:$0x3FA2]  }
0x2d: {  	s3 =	simm.s32 $0x108;
	s8 =	sld [smem:$0x3FA3]  }
0x2e: {  	s3 =	simm.s32 @!p0 $0x1082;
	s9 =	sld [smem:$0x3FA4]  }
0x2f: {  	lr =	sadd.s32 s0, s3;
	s0 =	sld [smem:$0x3F9B]  }
0x30: {  	s3 =	sld [smem:$0x3F9E]  }
0x31: {  	[smem:$0x3FA7] =	sst s10  }
0x32: {  	s10 =	sld [smem:$0x3FA5];
	_ =	sdelay $0x3  }
0x33: {  	p0 =	seq.s32 s10, $0x1;
	s10 =	sld [smem:$0x3FA7];
	_ =	sdelay $0x3  }
0x34: {  	[smem:$0x3FA7] =	sst s10  }
0x35: {  	s10 =	sld [smem:$0x3FA6];
	_ =	sdelay $0x3  }
0x36: {  	p1 =	seq.s32 s10, $0x1;
	s10 =	sld [smem:$0x3FA7];
	_ =	sdelay $0x3  }
0x37: {  	[smem:$0x3FA7] =	sst s10  }
0x38: {  	s10 =	sld [smem:$0x3FA8]  }
0x39: {  	_ = 	snop;
	(pc) =	sbr.ind lr, $3  }
0x3a: {  	_ = 	snop  }
0x3b: {  	_ = 	snop  }
0x3c: {  	p2 =	seq.s32 s10, $0x1;
	s10 =	sld [smem:$0x3FA7]  }
0x3d: {  	_ =	shalt  }
0x3e: {  	_ =	shalt  }
0x3f: {  	_ =	shalt  }
0x40: {  	_ =	shalt  }
0x41: {  	_ =	shalt  }
0x42: {  	_ =	shalt  }
0x43: {  	_ =	shalt  }
0x44: {  	_ =	shalt  }
0x45: {  	_ =	shalt  }
0x46: {  	_ =	shalt  }
0x47: {  	_ =	shalt  }
0x48: {  	_ =	shalt  }
0x49: {  	_ =	shalt  }
0x4a: {  	_ =	shalt  }
0x4b: {  	_ =	shalt  }
0x4c: {  	_ =	shalt  }
0x4d: {  	_ =	shalt  }
0x4e: {  	_ =	shalt  }
0x4f: {  	_ =	shalt  }
0x50: {  	_ =	shalt  }
0x51: {  	_ =	shalt  }
0x52: {  	_ =	shalt  }
0x53: {  	_ =	shalt  }
0x54: {  	_ =	shalt  }
0x55: {  	_ =	shalt  }
0x56: {  	_ =	shalt  }
0x57: {  	_ =	shalt  }
0x58: {  	_ =	shalt  }
0x59: {  	_ =	shalt  }
0x5a: {  	_ =	shalt  }
0x5b: {  	_ =	shalt  }
0x5c: {  	_ =	shalt  }
0x5d: {  	_ =	shalt  }
0x5e: {  	_ =	shalt  }
0x5f: {  	_ =	shalt  }
0x60: {  	_ =	shalt  }
0x61: {  	_ =	shalt  }
0x62: {  	_ =	shalt  }
0x63: {  	_ =	shalt  }
0x64: {  	_ =	shalt  }
0x65: {  	_ =	shalt  }
0x66: {  	_ =	shalt  }
0x67: {  	_ =	shalt  }
0x68: {  	_ =	shalt  }
0x69: {  	_ =	shalt  }
0x6a: {  	_ =	shalt  }
0x6b: {  	_ =	shalt  }
0x6c: {  	_ =	shalt  }
0x6d: {  	_ =	shalt  }
0x6e: {  	_ =	shalt  }
0x6f: {  	_ =	shalt  }
0x70: {  	_ =	shalt  }
0x71: {  	_ =	shalt  }
0x72: {  	_ =	shalt  }
0x73: {  	_ =	shalt  }
0x74: {  	_ =	shalt  }
0x75: {  	_ =	shalt  }
0x76: {  	_ =	shalt  }
0x77: {  	_ =	shalt  }
0x78: {  	_ =	shalt  }
0x79: {  	_ =	shalt  }
0x7a: {  	_ =	shalt  }
0x7b: {  	_ =	shalt  }
0x7c: {  	_ =	shalt  }
0x7d: {  	_ =	shalt  }
0x7e: {  	_ =	shalt  }
0x7f: {  	_ =	shalt  }
0x80: {  	_ =	shalt  }
0x81: {  	_ =	shalt  }
0x82: {  	_ =	shalt  }
0x83: {  	_ =	shalt  }
0x84: {  	_ =	shalt  }
0x85: {  	_ =	shalt  }
0x86: {  	_ =	shalt  }
0x87: {  	_ =	shalt  }
.Lfunc_end0:
.L_simem_size_0:
called_computation.1_lowered:
.L_overlay_start_0:
0x88: {  	s2 =	sld [smem:$0x3FD9]  }
0x89: {  	s3 =	sld [smem:$0x3FFE];
	_ =	sdelay $0x1  }
0x8a: {  	s1 =	srdreg.scid  }
0x8b: {  	s0 =	sand.u32 $0x1, s1  }
0x8c: {  	s17 =	sshll.u32 s0, $0xA;
	s2 =	sadd.s32 s3, s2  }
0x8d: {  	s2 =	sadd.s32 s2, s17  }
0x8e: {  	[smem:$0x3FB3] =	sst s2  }
0x8f: {  	_ = 	snop  }
0x90: {  	(tm) =	ssettm $0x1  }
0x91: {  	s18 =	sld [smem:$0x3FFB];
	_ =	sdelay $0x3  }
0x92: {  	_ =	strace s18  }
0x93: {  	s2 =	sld [smem:$0x3FFC];
	_ =	sdelay $0x3  }
0x94: {  	_ =	strace s2  }
0x95: {  	s2 =	sld [smem:$0x3FFD];
	_ =	sdelay $0x3  }
0x96: {  	_ =	strace s2  }
0x97: {  	_ =	strace $0x8FFFFFFF  }
0x98: {  	s19 =	sld [smem:$0x3FDB];
	_ =	sdelay $0x1  }
0x99: {  	s20 =	simm.s32 $_scs_section_size  }
0x9a: {  	s4 =	simm.s32 $_size__tile_overlayer_lowered;
	s5 =	simm.s32 $_tile_overlayer_lowered  }
0x9b: {  	s6 =	simm.s32 $0x1BFF;
	s21 =	sshll.u32 s5, $0x1;
	s3 =	sadd.s32 s20, s19  }
0x9c: {  	s22 =	simm.s32 $0x0;
	s4 =	sshll.u32 s4, $0x1;
	s5 =	sadd.s32 s21, s3  }
0x9d: {  	[timem:s22], [sflag:s6] =	dma.local [hbm:s5], s4  }
0x9e: {  	_ =	swait.ge [sflag:s6], s4  }
0x9f: {  	s4 =	ssub.s32 $0x0, s4;
	[sflag:s6] =	ssyncset.done $0x0  }
0xa0: {  	[sflag:s6] =	ssyncadd.s32 s4;
	_ =	sdelay $0x1  }
0xa1: {  	s23 =	simm.s32 $0x1B8B  }
0xa2: {  	_ =	swait.ge [sflag:s23], $0x1  }
0xa3: {  	[sflag:s23] =	ssyncset.done $0x0  }
0xa4: {  	[sflag:s23] =	ssyncadd.s32 $0xFFFFFFFF  }
0xa5: {  	s4 =	sld [smem:$0x0]  }
0xa6: {  	s5 =	sand.u32 $0xFFFFFFFE, s1  }
0xa7: {  	p0 =	sne.s32 s1, s5  }
0xa8: {  	s5 =	sshll.u32 @p0 s5, $0xE  }
0xa9: {  	s5 =	sadd.s32 @p0 $0x11B8D, s5;
	s6 =	sshll.u32 @p0 s4, $0x11  }
0xaa: {  	s5 =	sor.u32 @p0 s6, s5  }
0xab: {  	[sflag:s5] =	ssyncadd.remote.s32 @p0 $0x1;
	_ =	sdelay $0x1  }
0xac: {  	s5 =	simm.s32 @p0 $0x1B8D  }
0xad: {  	_ =	swait.eq @p0 [sflag:s5], $0x1  }
0xae: {  	[sflag:s5] =	ssyncadd.s32 @p0 $0xFFFFFFFF  }
0xaf: {  	s6 =	sshll.u32 @!p0 s1, $0xE  }
0xb0: {  	s6 =	sor.u32 @!p0 $0x4000, s6;
	s5 =	simm.s32 @!p0 $0x1B8D  }
0xb1: {  	s4 =	sshll.u32 @!p0 s4, $0x11;
	s6 =	sadd.s32 @!p0 $0x11B8D, s6;
	_ =	swait.eq @!p0 [sflag:s5], $0x1  }
0xb2: {  	s4 =	sor.u32 @!p0 s4, s6;
	[sflag:s5] =	ssyncadd.s32 @!p0 $0xFFFFFFFF  }
0xb3: {  	s25 =	simm.s32 $0x1B8E;
	s24 =	sld [smem:$0x3FFE];
	[sflag:s4] =	ssyncadd.remote.s32 @!p0 $0x1  }
0xb4: {  	s26 =	simm.s32 $execute0_lowered;
	[smem:$0x3FD2] =	sst s25  }
0xb5: {  	s5 =	sshll.u32 s26, $0x1;
	_ =	strace $0x80000049;
	[dreg:$0x1] =	wrdreg $0xFFFFFFFF  }
0xb6: {  	s28 =	simm.s32 $_size_execute0_lowered;
	s3 =	sadd.s32 s3, s5;
	[dreg:$0x0] =	wrdreg $0x0  }
0xb7: {  	s5 =	sshll.u32 s28, $0x1;
	[dreg:$0x2] =	wrdreg s3  }
0xb8: {  	[dreg:$0x3] =	wrdreg s5  }
0xb9: {  	[dreg:$0x4] =	wrdreg $0xC0  }
0xba: {  	_ =	task [dreg:s22], $0x5FFFF  }
0xbb: {  	[dreg:$0x1] =	wrdreg $0xFFFFFFFF  }
0xbc: {  	[dreg:$0x0] =	wrdreg $0x60  }
0xbd: {  	[dreg:$0x2] =	wrdreg s24  }
0xbe: {  	[dreg:$0x3] =	wrdreg $0x40800  }
0xbf: {  	[dreg:$0x4] =	wrdreg $0x9  }
0xc0: {  	_ =	task.clear_ibuf [dreg:s22], $0x5FFFF;
	_ =	strace $0x90000049  }
0xc1: {  	s29 =	simm.s32 $0x9;
	_ =	strace $0x8000004B  }
0xc2: {  	_ =	swait.ge [sflag:s29], $0x1  }
0xc3: {  	[sflag:s29] =	ssyncadd.s32 $0xFFFFFFFF  }
0xc4: {  	_ =	strace $0x9000004B  }
0xc5: {  	_ =	sfence  }
0xc6: {  	s30 =	sld [smem:$0x0];
	_ =	sdelay $0x2  }
0xc7: {  	s31 =	sshll.u32 s1, $0xD;
	s1 =	sshrl.u32 s1, $0x2  }
0xc8: {  	s4 =	sand.u32 $0x4000, s31;
	s1 =	sadd.s32 s1, s30  }
0xc9: {  	s0 =	sor.u32 s4, s0;
	s1 =	sshll.u32 s1, $0x11  }
0xca: {  	s0 =	sor.u32 s1, s0  }
0xcb: {  	s0 =	sadd.s32 $0x8F2B, s0  }
0xcc: {  	[sflag:s0] =	ssyncadd.remote.s32 $0x1  }
0xcd: {  	_ =	sfence.sel $0xFFFF  }
0xce: {  	[dreg:$0x0] =	wrdreg $0xFFFFFFFF;
	(pc) =	sbr.abs _section_cstart, $3  }
0xcf: {  	[dreg:$0x1] =	wrdreg $0xFFFFFFFF  }
0xd0: {  	_ =	task.clear_ibuf [dreg:s22], $0x2FFFF;
	_ =	strace $0x9FFFFFFF  }
0xd1: {  	(tm) =	ssettm $0x7FFFFFFF  }
tec
execute0_lowered:
.L_overlay_start_1:
0x0: {  	(tag) =	ssettag $0x1  }
0x1: {  	s4 =	rddreg [dreg:$0x0]  }
0x2: {  	s2 =	rddreg [dreg:$0x1];
	s1 =	stileid.u32  }
0x3: {  	s0 =	rddreg [dreg:$0x2];
	s5 =	smul.u32 $0x500, s1  }
0x4: {  	s6 =	srdreg.scid;
	s11 =	smul.u32 $0x2980, s1  }
0x5: {  	s3 =	simm.s32 $0x0;
	s6 =	sand.u32 $0x1, s6;
	s10 =	smul.u32 $0x53000, s1  }
0x6: {  	[smem:$0x7FF] =	sst s3;
	s28 =	sshll.u32 s1, $0x6;
	s7 =	smul.u32 $0x29800, s6  }
0x7: {  	_ =	strace $0x8000004A;
	s8 =	ssub.s32 $0x2, s6;
	s29 =	smul.u32 $0x280, s6  }
0x8: {  	s9 =	sadd.s32 s5, s4;
	s25 =	sshrl.u32 s8, $0x1;
	s12 =	sadd.s32 s11, s4  }
0x9: {  	s26 =	sshrl.u32 s10, $0x2;
	s5 =	sor.u32 $0x1C01, s28;
	s10 =	simm.s32 $0x80  }
0xa: {  	s7 =	sadd.s32 s7, s4;
	s8 =	ssub.s32 s8, s25;
	s13 =	sadd.s32 s26, s2  }
0xb: {  	s4 =	sadd.s32 $0x561A00, s12;
	s31 =	sadd.s32 s29, s9;
	s9 =	simm.s32 $0x1  }
0xc: {  	s12 =	simm.s32 $0x0;
	s30 =	sadd.s32 $0x58B200, s7;
	s6 =	smax.u32 s8, $0x1  }
0xd: {  	v0 =	vimm.f32 $1.000000000e+00;
	s7 =	sadd.s32 $0x5CA00, s31;
	s8 =	sshrl.u32 s13, $0x3;
	s11 =	sadd.s32 s11, s30  }
.LBB2_1:
0xe: {  	s13 =	simm.s32 $0x0;
	s14 =	simm.s32 $0x200  }
.LBB2_2:
0xf: {  	p0 =	sne.s32 s14, $0xFE00;
	[tilespmem:s13+$0xF0] =	vst v0  }
0x10: {  	[tilespmem:s13+$0x80] =	vst v0  }
0x11: {  	[tilespmem:s13+$0x90] =	vst v0  }
.Ltmp0:
0x12: {  	[tilespmem:s13+$0xA0] =	vst v0;
	(pc) =	sbr.rel @p0 .LBB2_2-.Ltmp0, $4  }
0x13: {  	[tilespmem:s13+$0xB0] =	vst v0  }
0x14: {  	[tilespmem:s13+$0xC0] =	vst v0  }
0x15: {  	[tilespmem:s13+$0xD0] =	vst v0  }
0x16: {  	[tilespmem:s13+$0xE0] =	vst v0;
	s13 =	sshra.s32 s14, $0x2;
	s14 =	sadd.s32 $0x200, s14  }
0x17: {  	[tilespmem:s13+$0xF0] =	vst v0  }
0x18: {  	[tilespmem:s13+$0x80] =	vst v0  }
0x19: {  	[tilespmem:s13+$0x90] =	vst v0  }
0x1a: {  	[tilespmem:s13+$0xA0] =	vst v0  }
0x1b: {  	[tilespmem:s13+$0xB0] =	vst v0  }
0x1c: {  	[tilespmem:s13+$0xC0] =	vst v0  }
0x1d: {  	[tilespmem:s13+$0xD0] =	vst v0  }
0x1e: {  	[tilespmem:s13+$0xE0] =	vst v0  }
0x1f: {  	[spmem:s8], [sflag:s5] =	dma.local [hbm:s4], $0x2980  }
0x20: {  	_ =	swait.ge [sflag:s9], $0x2980  }
0x21: {  	[sflag:s9] =	ssyncset.done $0x0  }
0x22: {  	[sflag:s9] =	ssyncadd.s32 $0xFFFFD680  }
0x23: {  	s31 =	sadd.s32 $0x0, s7;
	[bflag:$0x0] =	sbarrier.arrive $0xFFFF  }
0x24: {  	[tilespmem:s3], [sflag:$0x1] =	stream.linear.gather [hbm4b:s31+s3], $0x80, $0x38;
	[tilespmem:$0x18C80] =	vst v63  }
0x25: {  	_ =	swait.ge [sflag:s9], $0x80  }
0x26: {  	[sflag:s9] =	ssyncset.done $0x0  }
0x27: {  	[sflag:s9] =	ssyncadd.s32 $0xFFFFFF80  }
0x28: {  	[spmem:s2] =	stream.indirect.scatter.add.f32 [tilespmem:s10], [sflag:$0x1], $0x80, s3, s10, $0xb8;
	[tilespmem:$0x18C80] =	vst v63  }
0x29: {  	_ =	swait.ge [sflag:s9], $0x4000  }
0x2a: {  	s13 =	simm.s32 $0x10;
	s14 =	simm.s32 $0x20;
	[sflag:s9] =	ssyncset.done $0x0  }
.LBB2_4:
0x2b: {  	s15 =	sadd.s32 s13, s7  }
0x2c: {  	[sflag:s9] =	ssyncadd.s32 $0xFFFFC000;
	s13 =	smov.u32 s14;
	s16 =	sadd.s32 $0x10, s14  }
0x2d: {  	[tilespmem:s3], [sflag:$0x1] =	stream.linear.gather [hbm4b:s15+s3], $0x80, $0x38;
	[tilespmem:$0x18C80] =	vst v63  }
0x2e: {  	p0 =	sne.s32 s14, $0x270;
	_ =	swait.ge [sflag:s9], $0x80  }
.Ltmp1:
0x2f: {  	[sflag:s9] =	ssyncset.done $0x0;
	(pc) =	sbr.rel @p0 .LBB2_4-.Ltmp1, $4  }
0x30: {  	[sflag:s9] =	ssyncadd.s32 $0xFFFFFF80  }
0x31: {  	[spmem:s2] =	stream.indirect.scatter.add.f32 [tilespmem:s10], [sflag:$0x1], $0x80, s3, s10, $0xb8;
	[tilespmem:$0x18C80] =	vst v63  }
0x32: {  	_ =	swait.ge [sflag:s9], $0x4000  }
0x33: {  	s14 =	smov.u32 s16;
	[sflag:s9] =	ssyncset.done $0x0  }
0x34: {  	s13 =	sadd.s32 s13, s7;
	[sflag:s9] =	ssyncadd.s32 $0xFFFFC000  }
0x35: {  	[tilespmem:s3], [sflag:$0x1] =	stream.linear.gather [hbm4b:s13+s3], $0x80, $0x38;
	[tilespmem:$0x18C80] =	vst v63  }
0x36: {  	_ =	swait.ge [sflag:s9], $0x80  }
0x37: {  	[sflag:s9] =	ssyncset.done $0x0  }
0x38: {  	[sflag:s9] =	ssyncadd.s32 $0xFFFFFF80  }
0x39: {  	[spmem:s2] =	stream.indirect.scatter.add.f32 [tilespmem:s10], [sflag:$0x1], $0x80, s3, s10, $0xb8;
	[tilespmem:$0x18C80] =	vst v63  }
0x3a: {  	_ =	swait.ge [sflag:s9], $0x4000  }
0x3b: {  	s12 =	sadd.s32 $0x1, s12;
	[sflag:s9] =	ssyncset.done $0x0  }
0x3c: {  	p0 =	sne.s32 s12, s6;
	[sflag:s9] =	ssyncadd.s32 $0xFFFFC000  }
.Ltmp2:
0x3d: {  	[bflag:$0x0] =	sbarrier.arrive $0xFFFF;
	(pc) =	sbr.rel @p0 .LBB2_1-.Ltmp2, $4  }
0x3e: {  	[hbm:s11], [sflag:s5] =	dma.local [spmem:s8], $0x2980  }
0x3f: {  	_ =	swait.ge [sflag:s9], $0x2980  }
0x40: {  	[sflag:s9] =	ssyncset.done $0x0  }
0x41: {  	[sflag:s9] =	ssyncadd.s32 $0xFFFFD680  }
0x42: {  	_ =	sfence.sel $0x180000  }
0x43: {  	[bflag:$0x0] =	sbarrier.arrive $0xFFFF  }
0x44: {  	p0 =	sne.s32 s1, $0x0;
	_ =	strace $0x9000004A  }
0x45: {  	s0 =	sadd.s32 @!p0 $0x100000, s0;
	[bflag:$0x2] =	sbarrier.arrive $0xFFFF  }
0x46: {  	[sflag:s0] =	ssyncadd.tile.s32 @!p0 $0x1;
	_ =	shalt  }
.Lfunc_end2:
_tile_overlayer_lowered:
.L_overlay_start_2:
0x47: {  	(tag) =	ssettag $0x2  }
0x48: {  	s0 =	rddreg [dreg:$0x0];
	s2 =	stileid.u32  }
0x49: {  	s1 =	rddreg [dreg:$0x1];
	p0 =	sne.s32 s2, $0x0  }
0x4a: {  	s3 =	rddreg [dreg:$0x2];
	[bflag:$0x3] =	sbarrier.arrive $0xFFFF;
	s2 =	simm.s32 @!p0 $0x1C01  }
0x4b: {  	[timem:s3], [sflag:s2] =	dma.local @!p0 [hbm:s0], s1  }
0x4c: {  	s0 =	simm.s32 @!p0 $0x1  }
0x4d: {  	_ =	swait.ge @!p0 [sflag:s0], s1  }
0x4e: {  	s1 =	ssub.s32 @!p0 $0x0, s1;
	[sflag:s0] =	ssyncset.done @!p0 $0x0  }
0x4f: {  	[sflag:s0] =	ssyncadd.s32 @!p0 s1  }
0x50: {  	[bflag:$0x3] =	sbarrier.arrive $0xFFFF  }
0x51: {  	_ =	shalt  }

// kernel: kernel.14.cloned.1.call-start
scs
__scs_entry_jumppad:
0x0: {  	(pc) =	sbr.rel $0x88, $3  }
0x1: {  	(tag) =	ssettag $0x0;
	lr =	simm.s32 $0x1  }
0x2: {  	[smem:$0x3F8C] =	sst lr;
	_ =	strace $0xD0000000  }
0x3: {  	_ = 	snop  }
0x4: {  	_ = 	snop  }
0x5: {  	_ = 	snop  }
0x6: {  	_ = 	snop  }
0x7: {  	_ = 	snop  }
__scs_overlays_trampoline_lowered:
0x8: {  	[smem:$0x3F9B] =	sst s0  }
0x9: {  	[smem:$0x3F9C] =	sst s1  }
0xa: {  	[smem:$0x3F9D] =	sst s2  }
0xb: {  	[smem:$0x3F9E] =	sst s3  }
0xc: {  	[smem:$0x3F9F] =	sst s4  }
0xd: {  	[smem:$0x3FA0] =	sst s5  }
0xe: {  	[smem:$0x3FA1] =	sst s6  }
0xf: {  	[smem:$0x3FA2] =	sst s7  }
0x10: {  	[smem:$0x3FA3] =	sst s8  }
0x11: {  	[smem:$0x3FA4] =	sst s9;
	s0 =	simm.s32 @!p0 $0x0  }
0x12: {  	s1 =	sld [smem:$0x3F8A];
	s0 =	simm.s32 @p0 $0x1  }
0x13: {  	[smem:$0x3FA5] =	sst s0;
	s0 =	simm.s32 @!p1 $0x0  }
0x14: {  	s2 =	sld [smem:$0x3F89];
	s0 =	simm.s32 @p1 $0x1  }
0x15: {  	[smem:$0x3FA6] =	sst s0;
	s0 =	simm.s32 @!p2 $0x0  }
0x16: {  	s3 =	sld [smem:$0x3FDB];
	s0 =	simm.s32 @p2 $0x1  }
0x17: {  	s4 =	simm.s32 $0x1BF5;
	[smem:$0x3FA8] =	sst s0  }
0x18: {  	s0 =	sld [smem:$0x3F8B];
	_ =	swait.ge [sflag:s4], $0x0  }
0x19: {  	s7 =	sld [smem:$0x3F8C]  }
0x1a: {  	s8 =	sadd.s32 $0xFFFFE003, lr  }
0x1b: {  	s9 =	sadd.s32 $0xFFFFFEF7, lr;
	s5 =	simm.s32 $0xFFFFFFFF;
	p2 =	slt.u32 s8, $0xFFFFF086  }
0x1c: {  	p1 =	slt.u32 s9, $0xF7A;
	s5 =	simm.s32 @!p2 $0x0  }
0x1d: {  	s5 =	simm.s32 @p1 $0x1;
	p0 =	seq.s32 s7, s2  }
0x1e: {  	s7 =	smul.u32 @!p0 $0xF7A, s2;
	p2 =	seq.s32 @!p0 s5, $0x0  }
0x1f: {  	s9 =	smul.u32 $0xF7A, s1;
	s8 =	simm.s32 @!p0 $0x1BF5;
	p2 =	por !p2, p0  }
0x20: {  	[sflag:s8] =	ssyncset.s32 @!p0 $0xFFFFF086;
	s6 =	sadd.s32 @!p0 s3, s7;
	s7 =	simm.s32 @!p0 $0x108  }
0x21: {  	s3 =	sadd.s32 s3, s9;
	s6 =	sadd.s32 @!p0 $0x88, s6;
	s7 =	simm.s32 @p2 $0x1082  }
0x22: {  	[simem:s7], [sflag:s8] =	dma.local @!p0 [hbm:s6], $0xF7A  }
0x23: {  	s9 =	sor.u32 $0xD0000000, s2;
	s6 =	simm.s32 $0x108;
	_ =	swait.ge @!p0 [sflag:s8], $0x0  }
0x24: {  	s3 =	sadd.s32 $0x88, s3;
	s6 =	simm.s32 @!p1 $0x1082;
	[sflag:s4] =	ssyncset.s32 $0xFFFFF086  }
0x25: {  	[simem:s6], [sflag:s4] =	dma.local [hbm:s3], $0xF7A  }
0x26: {  	[smem:$0x3F8C] =	sst s1;
	(tag) =	ssettag s2;
	_ =	strace s9  }
0x27: {  	s1 =	sld [smem:$0x3F9C]  }
0x28: {  	s2 =	sld [smem:$0x3F9D]  }
0x29: {  	s4 =	sld [smem:$0x3F9F]  }
0x2a: {  	p0 =	seq.s32 s5, $0x0;
	s5 =	sld [smem:$0x3FA0]  }
0x2b: {  	s6 =	sld [smem:$0x3FA1]  }
0x2c: {  	s7 =	sld [smem:$0x3FA2]  }
0x2d: {  	s3 =	simm.s32 $0x108;
	s8 =	sld [smem:$0x3FA3]  }
0x2e: {  	s3 =	simm.s32 @!p0 $0x1082;
	s9 =	sld [smem:$0x3FA4]  }
0x2f: {  	lr =	sadd.s32 s0, s3;
	s0 =	sld [smem:$0x3F9B]  }
0x30: {  	s3 =	sld [smem:$0x3F9E]  }
0x31: {  	[smem:$0x3FA7] =	sst s10  }
0x32: {  	s10 =	sld [smem:$0x3FA5];
	_ =	sdelay $0x3  }
0x33: {  	p0 =	seq.s32 s10, $0x1;
	s10 =	sld [smem:$0x3FA7];
	_ =	sdelay $0x3  }
0x34: {  	[smem:$0x3FA7] =	sst s10  }
0x35: {  	s10 =	sld [smem:$0x3FA6];
	_ =	sdelay $0x3  }
0x36: {  	p1 =	seq.s32 s10, $0x1;
	s10 =	sld [smem:$0x3FA7];
	_ =	sdelay $0x3  }
0x37: {  	[smem:$0x3FA7] =	sst s10  }
0x38: {  	s10 =	sld [smem:$0x3FA8]  }
0x39: {  	_ = 	snop;
	(pc) =	sbr.ind lr, $3  }
0x3a: {  	_ = 	snop  }
0x3b: {  	_ = 	snop  }
0x3c: {  	p2 =	seq.s32 s10, $0x1;
	s10 =	sld [smem:$0x3FA7]  }
0x3d: {  	_ =	shalt  }
0x3e: {  	_ =	shalt  }
0x3f: {  	_ =	shalt  }
0x40: {  	_ =	shalt  }
0x41: {  	_ =	shalt  }
0x42: {  	_ =	shalt  }
0x43: {  	_ =	shalt  }
0x44: {  	_ =	shalt  }
0x45: {  	_ =	shalt  }
0x46: {  	_ =	shalt  }
0x47: {  	_ =	shalt  }
0x48: {  	_ =	shalt  }
0x49: {  	_ =	shalt  }
0x4a: {  	_ =	shalt  }
0x4b: {  	_ =	shalt  }
0x4c: {  	_ =	shalt  }
0x4d: {  	_ =	shalt  }
0x4e: {  	_ =	shalt  }
0x4f: {  	_ =	shalt  }
0x50: {  	_ =	shalt  }
0x51: {  	_ =	shalt  }
0x52: {  	_ =	shalt  }
0x53: {  	_ =	shalt  }
0x54: {  	_ =	shalt  }
0x55: {  	_ =	shalt  }
0x56: {  	_ =	shalt  }
0x57: {  	_ =	shalt  }
0x58: {  	_ =	shalt  }
0x59: {  	_ =	shalt  }
0x5a: {  	_ =	shalt  }
0x5b: {  	_ =	shalt  }
0x5c: {  	_ =	shalt  }
0x5d: {  	_ =	shalt  }
0x5e: {  	_ =	shalt  }
0x5f: {  	_ =	shalt  }
0x60: {  	_ =	shalt  }
0x61: {  	_ =	shalt  }
0x62: {  	_ =	shalt  }
0x63: {  	_ =	shalt  }
0x64: {  	_ =	shalt  }
0x65: {  	_ =	shalt  }
0x66: {  	_ =	shalt  }
0x67: {  	_ =	shalt  }
0x68: {  	_ =	shalt  }
0x69: {  	_ =	shalt  }
0x6a: {  	_ =	shalt  }
0x6b: {  	_ =	shalt  }
0x6c: {  	_ =	shalt  }
0x6d: {  	_ =	shalt  }
0x6e: {  	_ =	shalt  }
0x6f: {  	_ =	shalt  }
0x70: {  	_ =	shalt  }
0x71: {  	_ =	shalt  }
0x72: {  	_ =	shalt  }
0x73: {  	_ =	shalt  }
0x74: {  	_ =	shalt  }
0x75: {  	_ =	shalt  }
0x76: {  	_ =	shalt  }
0x77: {  	_ =	shalt  }
0x78: {  	_ =	shalt  }
0x79: {  	_ =	shalt  }
0x7a: {  	_ =	shalt  }
0x7b: {  	_ =	shalt  }
0x7c: {  	_ =	shalt  }
0x7d: {  	_ =	shalt  }
0x7e: {  	_ =	shalt  }
0x7f: {  	_ =	shalt  }
0x80: {  	_ =	shalt  }
0x81: {  	_ =	shalt  }
0x82: {  	_ =	shalt  }
0x83: {  	_ =	shalt  }
0x84: {  	_ =	shalt  }
0x85: {  	_ =	shalt  }
0x86: {  	_ =	shalt  }
0x87: {  	_ =	shalt  }
.Lfunc_end0:
.L_simem_size_0:
called_computation.2_lowered:
.L_overlay_start_0:
0x88: {  	s2 =	sld [smem:$0x3FD9]  }
0x89: {  	s3 =	sld [smem:$0x3FFE];
	_ =	sdelay $0x1  }
0x8a: {  	s1 =	srdreg.scid  }
0x8b: {  	s0 =	sand.u32 $0x1, s1  }
0x8c: {  	s17 =	sshll.u32 s0, $0xA;
	s2 =	sadd.s32 s3, s2  }
0x8d: {  	s2 =	sadd.s32 s2, s17  }
0x8e: {  	[smem:$0x3FB3] =	sst s2  }
0x8f: {  	_ = 	snop  }
0x90: {  	(tm) =	ssettm $0x1  }
0x91: {  	s18 =	sld [smem:$0x3FFB];
	_ =	sdelay $0x3  }
0x92: {  	_ =	strace s18  }
0x93: {  	s2 =	sld [smem:$0x3FFC];
	_ =	sdelay $0x3  }
0x94: {  	_ =	strace s2  }
0x95: {  	s2 =	sld [smem:$0x3FFD];
	_ =	sdelay $0x3  }
0x96: {  	_ =	strace s2  }
0x97: {  	_ =	strace $0x8FFFFFFF  }
0x98: {  	s19 =	sld [smem:$0x3FDB];
	_ =	sdelay $0x1  }
0x99: {  	s20 =	simm.s32 $_scs_section_size  }
0x9a: {  	s4 =	simm.s32 $_size__tile_overlayer_lowered;
	s5 =	simm.s32 $_tile_overlayer_lowered  }
0x9b: {  	s6 =	simm.s32 $0x1BFF;
	s21 =	sshll.u32 s5, $0x1;
	s3 =	sadd.s32 s20, s19  }
0x9c: {  	s22 =	simm.s32 $0x0;
	s4 =	sshll.u32 s4, $0x1;
	s5 =	sadd.s32 s21, s3  }
0x9d: {  	[timem:s22], [sflag:s6] =	dma.local [hbm:s5], s4  }
0x9e: {  	_ =	swait.ge [sflag:s6], s4  }
0x9f: {  	s4 =	ssub.s32 $0x0, s4;
	[sflag:s6] =	ssyncset.done $0x0  }
0xa0: {  	[sflag:s6] =	ssyncadd.s32 s4;
	_ =	sdelay $0x1  }
0xa1: {  	s23 =	simm.s32 $0x1B8B  }
0xa2: {  	_ =	swait.ge [sflag:s23], $0x1  }
0xa3: {  	[sflag:s23] =	ssyncset.done $0x0  }
0xa4: {  	[sflag:s23] =	ssyncadd.s32 $0xFFFFFFFF  }
0xa5: {  	s4 =	sld [smem:$0x0]  }
0xa6: {  	s5 =	sand.u32 $0xFFFFFFFE, s1  }
0xa7: {  	p0 =	sne.s32 s1, s5  }
0xa8: {  	s5 =	sshll.u32 @p0 s5, $0xE  }
0xa9: {  	s5 =	sadd.s32 @p0 $0x11B8D, s5;
	s6 =	sshll.u32 @p0 s4, $0x11  }
0xaa: {  	s5 =	sor.u32 @p0 s6, s5  }
0xab: {  	[sflag:s5] =	ssyncadd.remote.s32 @p0 $0x1;
	_ =	sdelay $0x1  }
0xac: {  	s5 =	simm.s32 @p0 $0x1B8D  }
0xad: {  	_ =	swait.eq @p0 [sflag:s5], $0x1  }
0xae: {  	[sflag:s5] =	ssyncadd.s32 @p0 $0xFFFFFFFF  }
0xaf: {  	s6 =	sshll.u32 @!p0 s1, $0xE  }
0xb0: {  	s6 =	sor.u32 @!p0 $0x4000, s6;
	s5 =	simm.s32 @!p0 $0x1B8D  }
0xb1: {  	s4 =	sshll.u32 @!p0 s4, $0x11;
	s6 =	sadd.s32 @!p0 $0x11B8D, s6;
	_ =	swait.eq @!p0 [sflag:s5], $0x1  }
0xb2: {  	s4 =	sor.u32 @!p0 s4, s6;
	[sflag:s5] =	ssyncadd.s32 @!p0 $0xFFFFFFFF  }
0xb3: {  	s25 =	simm.s32 $0x1B8E;
	s24 =	sld [smem:$0x3FFE];
	[sflag:s4] =	ssyncadd.remote.s32 @!p0 $0x1  }
0xb4: {  	s26 =	simm.s32 $execute0_lowered;
	[smem:$0x3FD2] =	sst s25  }
0xb5: {  	s5 =	sshll.u32 s26, $0x1;
	_ =	strace $0x8000004C;
	[dreg:$0x1] =	wrdreg $0xFFFFFFFF  }
0xb6: {  	s28 =	simm.s32 $_size_execute0_lowered;
	s3 =	sadd.s32 s3, s5;
	[dreg:$0x0] =	wrdreg $0x0  }
0xb7: {  	s5 =	sshll.u32 s28, $0x1;
	[dreg:$0x2] =	wrdreg s3  }
0xb8: {  	[dreg:$0x3] =	wrdreg s5  }
0xb9: {  	[dreg:$0x4] =	wrdreg $0xC0  }
0xba: {  	_ =	task [dreg:s22], $0x5FFFF  }
0xbb: {  	[dreg:$0x1] =	wrdreg $0xFFFFFFFF  }
0xbc: {  	[dreg:$0x0] =	wrdreg $0x60  }
0xbd: {  	[dreg:$0x2] =	wrdreg s24  }
0xbe: {  	[dreg:$0x3] =	wrdreg $0x81000  }
0xbf: {  	[dreg:$0x4] =	wrdreg $0xA  }
0xc0: {  	_ =	task.clear_ibuf [dreg:s22], $0x5FFFF;
	_ =	strace $0x9000004C  }
0xc1: {  	s29 =	simm.s32 $0xA;
	_ =	strace $0x8000004E  }
0xc2: {  	_ =	swait.ge [sflag:s29], $0x1  }
0xc3: {  	[sflag:s29] =	ssyncadd.s32 $0xFFFFFFFF  }
0xc4: {  	_ =	strace $0x9000004E  }
0xc5: {  	_ =	sfence  }
0xc6: {  	s30 =	sld [smem:$0x0];
	_ =	sdelay $0x2  }
0xc7: {  	s31 =	sshll.u32 s1, $0xD;
	s1 =	sshrl.u32 s1, $0x2  }
0xc8: {  	s4 =	sand.u32 $0x4000, s31;
	s1 =	sadd.s32 s1, s30  }
0xc9: {  	s0 =	sor.u32 s4, s0;
	s1 =	sshll.u32 s1, $0x11  }
0xca: {  	s0 =	sor.u32 s1, s0  }
0xcb: {  	s0 =	sadd.s32 $0x8F2B, s0  }
0xcc: {  	[sflag:s0] =	ssyncadd.remote.s32 $0x1  }
0xcd: {  	_ =	sfence.sel $0xFFFF  }
0xce: {  	[dreg:$0x0] =	wrdreg $0xFFFFFFFF;
	(pc) =	sbr.abs _section_cstart, $3  }
0xcf: {  	[dreg:$0x1] =	wrdreg $0xFFFFFFFF  }
0xd0: {  	_ =	task.clear_ibuf [dreg:s22], $0x2FFFF;
	_ =	strace $0x9FFFFFFF  }
0xd1: {  	(tm) =	ssettm $0x7FFFFFFF  }
tec
execute0_lowered:
.L_overlay_start_1:
0x0: {  	(tag) =	ssettag $0x1  }
0x1: {  	s4 =	rddreg [dreg:$0x0]  }
0x2: {  	s2 =	rddreg [dreg:$0x1]  }
0x3: {  	s0 =	rddreg [dreg:$0x2];
	s1 =	stileid.u32  }
0x4: {  	s3 =	simm.s32 $0x0;
	s5 =	srdreg.scid;
	s21 =	smul.u32 $0x2980, s1  }
0x5: {  	s19 =	simm.s32 $0x1;
	s20 =	simm.s32 $0x2;
	s8 =	smul.u32 $0x53000, s1  }
0x6: {  	[smem:$0x7FF] =	sst s3;
	s11 =	sand.u32 $0x1, s5;
	s16 =	smul.u32 $0x2800, s1  }
0x7: {  	s12 =	sadd.s32 $0xACF200, s4;
	s13 =	sadd.s32 $0x5CA00, s4;
	s18 =	smul.u32 $0x28000, s1  }
0x8: {  	s7 =	sshll.u32 s1, $0x1;
	s25 =	sshll.u32 s1, $0x6;
	s5 =	smul.u32 $0x29800, s11  }
0x9: {  	_ =	strace $0x8000004D;
	s22 =	ssub.s32 $0x2, s11;
	s17 =	smul.u32 $0x1400, s11  }
0xa: {  	s23 =	sor.u32 s11, s7;
	s11 =	smul.u32 $0x14000, s11;
	s6 =	sadd.s32 s21, s4  }
0xb: {  	s24 =	sshrl.u32 s22, $0x1;
	s9 =	smul.u32 $0x1400, s23;
	s8 =	sshrl.u32 s8, $0x2  }
0xc: {  	s28 =	smul.u32 $0x14000, s23;
	s10 =	sadd.s32 s5, s4;
	s14 =	ssub.s32 s22, s24  }
0xd: {  	s15 =	sadd.s32 s8, s2;
	s4 =	sadd.s32 $0x561A00, s6;
	s5 =	sor.u32 $0x1C03, s25  }
0xe: {  	s30 =	sadd.s32 s17, s16;
	s17 =	simm.s32 $0x4080;
	s26 =	sshrl.u32 s9, $0x3  }
0xf: {  	s9 =	sadd.s32 $0x1380, s9;
	s7 =	sadd.s32 s12, s28;
	s22 =	sadd.s32 $0x4600, s10  }
0x10: {  	s10 =	smax.u32 s14, $0x1;
	s16 =	sor.u32 $0x80, s30;
	s14 =	sor.u32 $0x100, s30  }
0x11: {  	s6 =	sadd.s32 s13, s26;
	s29 =	sshrl.u32 s9, $0x3;
	s9 =	sshll.u32 s9, $0x4  }
0x12: {  	s31 =	sshrl.u32 s16, $0x3;
	s14 =	sshrl.u32 s14, $0x3;
	s16 =	simm.s32 $0x80  }
0x13: {  	s21 =	sadd.s32 s21, s22;
	s22 =	simm.s32 $0x0;
	s8 =	sadd.s32 s13, s29  }
0x14: {  	s9 =	sadd.s32 s12, s9;
	s12 =	sadd.s32 s18, s12;
	s18 =	simm.s32 $0x4100  }
0x15: {  	s11 =	sadd.s32 s11, s12;
	s12 =	sadd.s32 s31, s13;
	s13 =	sadd.s32 s14, s13  }
0x16: {  	s14 =	sshrl.u32 s15, $0x3;
	s15 =	simm.s32 $0x3;
	s11 =	sadd.s32 $0x800, s11  }
.LBB2_1:
0x17: {  	[spmem:s14], [sflag:s5] =	dma.local [hbm:s4], $0x2980  }
0x18: {  	_ =	swait.ge [sflag:s15], $0x2980  }
0x19: {  	[sflag:s15] =	ssyncset.done $0x0  }
0x1a: {  	[sflag:s15] =	ssyncadd.s32 $0xFFFFD680  }
0x1b: {  	[bflag:$0x0] =	sbarrier.arrive $0xFFFF  }
0x1c: {  	[tilespmem:s3], [sflag:$0x3] =	stream.linear.gather [hbm4b:s6+s3], $0x80, $0x38;
	[tilespmem:$0x1CD00] =	vst v63  }
0x1d: {  	_ =	swait.ge [sflag:s15], $0x80  }
0x1e: {  	[sflag:s15] =	ssyncset.done $0x0  }
0x1f: {  	[sflag:s15] =	ssyncadd.s32 $0xFFFFFF80  }
0x20: {  	[tilespmem:s16], [sflag:$0x1] =	stream.linear.gather [hbm4b:s7+s3], $0x4000, $0x38;
	[tilespmem:$0x1CD00] =	vst v63  }
0x21: {  	s23 =	sadd.s32 $0x0, s12  }
0x22: {  	[tilespmem:s17], [sflag:$0x3] =	stream.linear.gather [hbm4b:s23+s3], $0x80, $0x38;
	[tilespmem:$0x1CD00] =	vst v63  }
0x23: {  	_ =	swait.ge [sflag:s15], $0x80  }
0x24: {  	[sflag:s15] =	ssyncset.done $0x0  }
0x25: {  	[sflag:s15] =	ssyncadd.s32 $0xFFFFFF80  }
0x26: {  	[tilespmem:s18], [sflag:$0x2] =	stream.linear.gather [hbm4b:s11+s3], $0x4000, $0x38;
	[tilespmem:$0x1CD00] =	vst v63  }
0x27: {  	_ =	swait.ge [sflag:s19], $0x4000  }
0x28: {  	[sflag:s19] =	ssyncset.done $0x0  }
0x29: {  	[sflag:s19] =	ssyncadd.s32 $0xFFFFC000  }
0x2a: {  	[spmem:s2] =	stream.indirect.scatter.add.f32 [tilespmem:s16], [sflag:$0x3], $0x80, s3, s16, $0xb8;
	[tilespmem:$0x1CD00] =	vst v63  }
0x2b: {  	_ =	swait.ge [sflag:s15], $0x4000  }
0x2c: {  	[sflag:s15] =	ssyncset.done $0x0  }
0x2d: {  	s30 =	sadd.s32 $0x0, s13;
	[sflag:s15] =	ssyncadd.s32 $0xFFFFC000  }
0x2e: {  	[tilespmem:s3], [sflag:$0x3] =	stream.linear.gather [hbm4b:s30+s3], $0x80, $0x38;
	[tilespmem:$0x1CD00] =	vst v63  }
0x2f: {  	_ =	swait.ge [sflag:s15], $0x80  }
0x30: {  	[sflag:s15] =	ssyncset.done $0x0  }
0x31: {  	s31 =	sadd.s32 $0x800, s11;
	[sflag:s15] =	ssyncadd.s32 $0xFFFFFF80  }
0x32: {  	[tilespmem:s16], [sflag:$0x1] =	stream.linear.gather [hbm4b:s31+s3], $0x4000, $0x38;
	[tilespmem:$0x1CD00] =	vst v63  }
0x33: {  	_ =	swait.ge [sflag:s20], $0x4000  }
0x34: {  	[sflag:s20] =	ssyncset.done $0x0  }
0x35: {  	[sflag:s20] =	ssyncadd.s32 $0xFFFFC000  }
0x36: {  	[spmem:s2] =	stream.indirect.scatter.add.f32 [tilespmem:s18], [sflag:$0x3], $0x80, s17, s16, $0xb8;
	[tilespmem:$0x1CD00] =	vst v63  }
0x37: {  	s24 =	simm.s32 $0x20;
	_ =	swait.ge [sflag:s15], $0x4000  }
0x38: {  	s25 =	simm.s32 $0x40;
	s23 =	sadd.s32 $0x1000, s11;
	[sflag:s15] =	ssyncset.done $0x0  }
.LBB2_2:
0x39: {  	s26 =	sadd.s32 s24, s12  }
0x3a: {  	[sflag:s15] =	ssyncadd.s32 $0xFFFFC000;
	s28 =	smov.u32 s25;
	s29 =	sadd.s32 $0x20, s25  }
0x3b: {  	[tilespmem:s17], [sflag:$0x3] =	stream.linear.gather [hbm4b:s26+s3], $0x80, $0x38;
	[tilespmem:$0x1CD00] =	vst v63  }
0x3c: {  	p0 =	sne.s32 s25, $0x240;
	_ =	swait.ge [sflag:s15], $0x80  }
0x3d: {  	[sflag:s15] =	ssyncset.done $0x0  }
0x3e: {  	[sflag:s15] =	ssyncadd.s32 $0xFFFFFF80  }
0x3f: {  	[tilespmem:s18], [sflag:$0x2] =	stream.linear.gather [hbm4b:s23+s3], $0x4000, $0x38;
	[tilespmem:$0x1CD00] =	vst v63  }
0x40: {  	_ =	swait.ge [sflag:s19], $0x4000  }
0x41: {  	[sflag:s19] =	ssyncset.done $0x0  }
0x42: {  	[sflag:s19] =	ssyncadd.s32 $0xFFFFC000  }
0x43: {  	[spmem:s2] =	stream.indirect.scatter.add.f32 [tilespmem:s16], [sflag:$0x3], $0x80, s3, s16, $0xb8;
	[tilespmem:$0x1CD00] =	vst v63  }
0x44: {  	_ =	swait.ge [sflag:s15], $0x4000  }
0x45: {  	[sflag:s15] =	ssyncset.done $0x0  }
0x46: {  	s25 =	sadd.s32 s24, s13;
	s24 =	smov.u32 s28;
	[sflag:s15] =	ssyncadd.s32 $0xFFFFC000  }
0x47: {  	[tilespmem:s3], [sflag:$0x3] =	stream.linear.gather [hbm4b:s25+s3], $0x80, $0x38;
	[tilespmem:$0x1CD00] =	vst v63  }
0x48: {  	_ =	swait.ge [sflag:s15], $0x80  }
0x49: {  	[sflag:s15] =	ssyncset.done $0x0  }
0x4a: {  	s25 =	sadd.s32 $0x800, s23;
	[sflag:s15] =	ssyncadd.s32 $0xFFFFFF80  }
0x4b: {  	[tilespmem:s16], [sflag:$0x1] =	stream.linear.gather [hbm4b:s25+s3], $0x4000, $0x38;
	[tilespmem:$0x1CD00] =	vst v63  }
0x4c: {  	_ =	swait.ge [sflag:s20], $0x4000  }
.Ltmp0:
0x4d: {  	[sflag:s20] =	ssyncset.done $0x0;
	(pc) =	sbr.rel @p0 .LBB2_2-.Ltmp0, $4  }
0x4e: {  	[sflag:s20] =	ssyncadd.s32 $0xFFFFC000  }
0x4f: {  	[spmem:s2] =	stream.indirect.scatter.add.f32 [tilespmem:s18], [sflag:$0x3], $0x80, s17, s16, $0xb8;
	[tilespmem:$0x1CD00] =	vst v63  }
0x50: {  	_ =	swait.ge [sflag:s15], $0x4000  }
0x51: {  	s23 =	sadd.s32 $0x1000, s23;
	s25 =	smov.u32 s29;
	[sflag:s15] =	ssyncset.done $0x0  }
0x52: {  	s25 =	sadd.s32 s24, s12;
	[sflag:s15] =	ssyncadd.s32 $0xFFFFC000  }
0x53: {  	[tilespmem:s17], [sflag:$0x3] =	stream.linear.gather [hbm4b:s25+s3], $0x80, $0x38;
	[tilespmem:$0x1CD00] =	vst v63  }
0x54: {  	_ =	swait.ge [sflag:s15], $0x80  }
0x55: {  	[sflag:s15] =	ssyncset.done $0x0  }
0x56: {  	[sflag:s15] =	ssyncadd.s32 $0xFFFFFF80  }
0x57: {  	[tilespmem:s18], [sflag:$0x2] =	stream.linear.gather [hbm4b:s23+s3], $0x4000, $0x38;
	[tilespmem:$0x1CD00] =	vst v63  }
0x58: {  	_ =	swait.ge [sflag:s19], $0x4000  }
0x59: {  	[sflag:s19] =	ssyncset.done $0x0  }
0x5a: {  	[sflag:s19] =	ssyncadd.s32 $0xFFFFC000  }
0x5b: {  	[spmem:s2] =	stream.indirect.scatter.add.f32 [tilespmem:s16], [sflag:$0x3], $0x80, s3, s16, $0xb8;
	[tilespmem:$0x1CD00] =	vst v63  }
0x5c: {  	_ =	swait.ge [sflag:s15], $0x4000  }
0x5d: {  	[sflag:s15] =	ssyncset.done $0x0  }
0x5e: {  	s30 =	sadd.s32 s24, s13;
	[sflag:s15] =	ssyncadd.s32 $0xFFFFC000  }
0x5f: {  	[tilespmem:s3], [sflag:$0x3] =	stream.linear.gather [hbm4b:s30+s3], $0x80, $0x38;
	[tilespmem:$0x1CD00] =	vst v63  }
0x60: {  	_ =	swait.ge [sflag:s15], $0x80  }
0x61: {  	[sflag:s15] =	ssyncset.done $0x0  }
0x62: {  	s31 =	sadd.s32 $0x800, s23;
	[sflag:s15] =	ssyncadd.s32 $0xFFFFFF80  }
0x63: {  	[tilespmem:s16], [sflag:$0x1] =	stream.linear.gather [hbm4b:s31+s3], $0x4000, $0x38;
	[tilespmem:$0x1CD00] =	vst v63  }
0x64: {  	_ =	swait.ge [sflag:s20], $0x4000  }
0x65: {  	[sflag:s20] =	ssyncset.done $0x0  }
0x66: {  	[sflag:s20] =	ssyncadd.s32 $0xFFFFC000  }
0x67: {  	[spmem:s2] =	stream.indirect.scatter.add.f32 [tilespmem:s18], [sflag:$0x3], $0x80, s17, s16, $0xb8;
	[tilespmem:$0x1CD00] =	vst v63  }
0x68: {  	_ =	swait.ge [sflag:s15], $0x4000  }
0x69: {  	[sflag:s15] =	ssyncset.done $0x0  }
0x6a: {  	[sflag:s15] =	ssyncadd.s32 $0xFFFFC000  }
0x6b: {  	[tilespmem:s17], [sflag:$0x3] =	stream.linear.gather [hbm4b:s8+s3], $0x80, $0x38;
	[tilespmem:$0x1CD00] =	vst v63  }
0x6c: {  	_ =	swait.ge [sflag:s15], $0x80  }
0x6d: {  	[sflag:s15] =	ssyncset.done $0x0  }
0x6e: {  	[sflag:s15] =	ssyncadd.s32 $0xFFFFFF80  }
0x6f: {  	[tilespmem:s18], [sflag:$0x2] =	stream.linear.gather [hbm4b:s9+s3], $0x4000, $0x38;
	[tilespmem:$0x1CD00] =	vst v63  }
0x70: {  	_ =	swait.ge [sflag:s19], $0x4000  }
0x71: {  	[sflag:s19] =	ssyncset.done $0x0  }
0x72: {  	[sflag:s19] =	ssyncadd.s32 $0xFFFFC000  }
0x73: {  	[spmem:s2] =	stream.indirect.scatter.add.f32 [tilespmem:s16], [sflag:$0x3], $0x80, s3, s16, $0xb8;
	[tilespmem:$0x1CD00] =	vst v63  }
0x74: {  	_ =	swait.ge [sflag:s15], $0x4000  }
0x75: {  	[sflag:s15] =	ssyncset.done $0x0  }
0x76: {  	[sflag:s15] =	ssyncadd.s32 $0xFFFFC000  }
0x77: {  	_ =	swait.ge [sflag:s20], $0x4000  }
0x78: {  	[sflag:s20] =	ssyncset.done $0x0  }
0x79: {  	[sflag:s20] =	ssyncadd.s32 $0xFFFFC000  }
0x7a: {  	[spmem:s2] =	stream.indirect.scatter.add.f32 [tilespmem:s18], [sflag:$0x3], $0x80, s17, s16, $0xb8;
	[tilespmem:$0x1CD00] =	vst v63  }
0x7b: {  	_ =	swait.ge [sflag:s15], $0x4000  }
0x7c: {  	s22 =	sadd.s32 $0x1, s22;
	[sflag:s15] =	ssyncset.done $0x0  }
0x7d: {  	p0 =	sne.s32 s22, s10;
	[sflag:s15] =	ssyncadd.s32 $0xFFFFC000  }
.Ltmp1:
0x7e: {  	[bflag:$0x0] =	sbarrier.arrive $0xFFFF;
	(pc) =	sbr.rel @p0 .LBB2_1-.Ltmp1, $4  }
0x7f: {  	[hbm:s21], [sflag:s5] =	dma.local [spmem:s14], $0x2980  }
0x80: {  	_ =	swait.ge [sflag:s15], $0x2980  }
0x81: {  	[sflag:s15] =	ssyncset.done $0x0  }
0x82: {  	[sflag:s15] =	ssyncadd.s32 $0xFFFFD680  }
0x83: {  	_ =	sfence.sel $0x180000  }
0x84: {  	[bflag:$0x0] =	sbarrier.arrive $0xFFFF  }
0x85: {  	p0 =	sne.s32 s1, $0x0;
	_ =	strace $0x9000004D  }
0x86: {  	s0 =	sadd.s32 @!p0 $0x100000, s0;
	[bflag:$0x2] =	sbarrier.arrive $0xFFFF  }
0x87: {  	[sflag:s0] =	ssyncadd.tile.s32 @!p0 $0x1;
	_ =	shalt  }
.Lfunc_end2:
_tile_overlayer_lowered:
.L_overlay_start_2:
0x88: {  	(tag) =	ssettag $0x2  }
0x89: {  	s0 =	rddreg [dreg:$0x0];
	s2 =	stileid.u32  }
0x8a: {  	s1 =	rddreg [dreg:$0x1];
	p0 =	sne.s32 s2, $0x0  }
0x8b: {  	s3 =	rddreg [dreg:$0x2];
	[bflag:$0x3] =	sbarrier.arrive $0xFFFF;
	s2 =	simm.s32 @!p0 $0x1C03  }
0x8c: {  	[timem:s3], [sflag:s2] =	dma.local @!p0 [hbm:s0], s1  }
0x8d: {  	s0 =	simm.s32 @!p0 $0x3  }
0x8e: {  	_ =	swait.ge @!p0 [sflag:s0], s1  }
0x8f: {  	s1 =	ssub.s32 @!p0 $0x0, s1;
	[sflag:s0] =	ssyncset.done @!p0 $0x0  }
0x90: {  	[sflag:s0] =	ssyncadd.s32 @!p0 s1  }
0x91: {  	[bflag:$0x3] =	sbarrier.arrive $0xFFFF  }
0x92: {  	_ =	shalt  }

// kernel: kernel.8.cloned.1.call-start
scs
__scs_entry_jumppad:
0x0: {  	(pc) =	sbr.rel $0x88, $3  }
0x1: {  	(tag) =	ssettag $0x0;
	lr =	simm.s32 $0x1  }
0x2: {  	[smem:$0x3F8C] =	sst lr;
	_ =	strace $0xD0000000  }
0x3: {  	_ = 	snop  }
0x4: {  	_ = 	snop  }
0x5: {  	_ = 	snop  }
0x6: {  	_ = 	snop  }
0x7: {  	_ = 	snop  }
__scs_overlays_trampoline_lowered:
0x8: {  	[smem:$0x3F9B] =	sst s0  }
0x9: {  	[smem:$0x3F9C] =	sst s1  }
0xa: {  	[smem:$0x3F9D] =	sst s2  }
0xb: {  	[smem:$0x3F9E] =	sst s3  }
0xc: {  	[smem:$0x3F9F] =	sst s4  }
0xd: {  	[smem:$0x3FA0] =	sst s5  }
0xe: {  	[smem:$0x3FA1] =	sst s6  }
0xf: {  	[smem:$0x3FA2] =	sst s7  }
0x10: {  	[smem:$0x3FA3] =	sst s8  }
0x11: {  	[smem:$0x3FA4] =	sst s9;
	s0 =	simm.s32 @!p0 $0x0  }
0x12: {  	s1 =	sld [smem:$0x3F8A];
	s0 =	simm.s32 @p0 $0x1  }
0x13: {  	[smem:$0x3FA5] =	sst s0;
	s0 =	simm.s32 @!p1 $0x0  }
0x14: {  	s2 =	sld [smem:$0x3F89];
	s0 =	simm.s32 @p1 $0x1  }
0x15: {  	[smem:$0x3FA6] =	sst s0;
	s0 =	simm.s32 @!p2 $0x0  }
0x16: {  	s3 =	sld [smem:$0x3FDB];
	s0 =	simm.s32 @p2 $0x1  }
0x17: {  	s4 =	simm.s32 $0x1BF5;
	[smem:$0x3FA8] =	sst s0  }
0x18: {  	s0 =	sld [smem:$0x3F8B];
	_ =	swait.ge [sflag:s4], $0x0  }
0x19: {  	s7 =	sld [smem:$0x3F8C]  }
0x1a: {  	s8 =	sadd.s32 $0xFFFFE003, lr  }
0x1b: {  	s9 =	sadd.s32 $0xFFFFFEF7, lr;
	s5 =	simm.s32 $0xFFFFFFFF;
	p2 =	slt.u32 s8, $0xFFFFF086  }
0x1c: {  	p1 =	slt.u32 s9, $0xF7A;
	s5 =	simm.s32 @!p2 $0x0  }
0x1d: {  	s5 =	simm.s32 @p1 $0x1;
	p0 =	seq.s32 s7, s2  }
0x1e: {  	s7 =	smul.u32 @!p0 $0xF7A, s2;
	p2 =	seq.s32 @!p0 s5, $0x0  }
0x1f: {  	s9 =	smul.u32 $0xF7A, s1;
	s8 =	simm.s32 @!p0 $0x1BF5;
	p2 =	por !p2, p0  }
0x20: {  	[sflag:s8] =	ssyncset.s32 @!p0 $0xFFFFF086;
	s6 =	sadd.s32 @!p0 s3, s7;
	s7 =	simm.s32 @!p0 $0x108  }
0x21: {  	s3 =	sadd.s32 s3, s9;
	s6 =	sadd.s32 @!p0 $0x88, s6;
	s7 =	simm.s32 @p2 $0x1082  }
0x22: {  	[simem:s7], [sflag:s8] =	dma.local @!p0 [hbm:s6], $0xF7A  }
0x23: {  	s9 =	sor.u32 $0xD0000000, s2;
	s6 =	simm.s32 $0x108;
	_ =	swait.ge @!p0 [sflag:s8], $0x0  }
0x24: {  	s3 =	sadd.s32 $0x88, s3;
	s6 =	simm.s32 @!p1 $0x1082;
	[sflag:s4] =	ssyncset.s32 $0xFFFFF086  }
0x25: {  	[simem:s6], [sflag:s4] =	dma.local [hbm:s3], $0xF7A  }
0x26: {  	[smem:$0x3F8C] =	sst s1;
	(tag) =	ssettag s2;
	_ =	strace s9  }
0x27: {  	s1 =	sld [smem:$0x3F9C]  }
0x28: {  	s2 =	sld [smem:$0x3F9D]  }
0x29: {  	s4 =	sld [smem:$0x3F9F]  }
0x2a: {  	p0 =	seq.s32 s5, $0x0;
	s5 =	sld [smem:$0x3FA0]  }
0x2b: {  	s6 =	sld [smem:$0x3FA1]  }
0x2c: {  	s7 =	sld [smem:$0x3FA2]  }
0x2d: {  	s3 =	simm.s32 $0x108;
	s8 =	sld [smem:$0x3FA3]  }
0x2e: {  	s3 =	simm.s32 @!p0 $0x1082;
	s9 =	sld [smem:$0x3FA4]  }
0x2f: {  	lr =	sadd.s32 s0, s3;
	s0 =	sld [smem:$0x3F9B]  }
0x30: {  	s3 =	sld [smem:$0x3F9E]  }
0x31: {  	[smem:$0x3FA7] =	sst s10  }
0x32: {  	s10 =	sld [smem:$0x3FA5];
	_ =	sdelay $0x3  }
0x33: {  	p0 =	seq.s32 s10, $0x1;
	s10 =	sld [smem:$0x3FA7];
	_ =	sdelay $0x3  }
0x34: {  	[smem:$0x3FA7] =	sst s10  }
0x35: {  	s10 =	sld [smem:$0x3FA6];
	_ =	sdelay $0x3  }
0x36: {  	p1 =	seq.s32 s10, $0x1;
	s10 =	sld [smem:$0x3FA7];
	_ =	sdelay $0x3  }
0x37: {  	[smem:$0x3FA7] =	sst s10  }
0x38: {  	s10 =	sld [smem:$0x3FA8]  }
0x39: {  	_ = 	snop;
	(pc) =	sbr.ind lr, $3  }
0x3a: {  	_ = 	snop  }
0x3b: {  	_ = 	snop  }
0x3c: {  	p2 =	seq.s32 s10, $0x1;
	s10 =	sld [smem:$0x3FA7]  }
0x3d: {  	_ =	shalt  }
0x3e: {  	_ =	shalt  }
0x3f: {  	_ =	shalt  }
0x40: {  	_ =	shalt  }
0x41: {  	_ =	shalt  }
0x42: {  	_ =	shalt  }
0x43: {  	_ =	shalt  }
0x44: {  	_ =	shalt  }
0x45: {  	_ =	shalt  }
0x46: {  	_ =	shalt  }
0x47: {  	_ =	shalt  }
0x48: {  	_ =	shalt  }
0x49: {  	_ =	shalt  }
0x4a: {  	_ =	shalt  }
0x4b: {  	_ =	shalt  }
0x4c: {  	_ =	shalt  }
0x4d: {  	_ =	shalt  }
0x4e: {  	_ =	shalt  }
0x4f: {  	_ =	shalt  }
0x50: {  	_ =	shalt  }
0x51: {  	_ =	shalt  }
0x52: {  	_ =	shalt  }
0x53: {  	_ =	shalt  }
0x54: {  	_ =	shalt  }
0x55: {  	_ =	shalt  }
0x56: {  	_ =	shalt  }
0x57: {  	_ =	shalt  }
0x58: {  	_ =	shalt  }
0x59: {  	_ =	shalt  }
0x5a: {  	_ =	shalt  }
0x5b: {  	_ =	shalt  }
0x5c: {  	_ =	shalt  }
0x5d: {  	_ =	shalt  }
0x5e: {  	_ =	shalt  }
0x5f: {  	_ =	shalt  }
0x60: {  	_ =	shalt  }
0x61: {  	_ =	shalt  }
0x62: {  	_ =	shalt  }
0x63: {  	_ =	shalt  }
0x64: {  	_ =	shalt  }
0x65: {  	_ =	shalt  }
0x66: {  	_ =	shalt  }
0x67: {  	_ =	shalt  }
0x68: {  	_ =	shalt  }
0x69: {  	_ =	shalt  }
0x6a: {  	_ =	shalt  }
0x6b: {  	_ =	shalt  }
0x6c: {  	_ =	shalt  }
0x6d: {  	_ =	shalt  }
0x6e: {  	_ =	shalt  }
0x6f: {  	_ =	shalt  }
0x70: {  	_ =	shalt  }
0x71: {  	_ =	shalt  }
0x72: {  	_ =	shalt  }
0x73: {  	_ =	shalt  }
0x74: {  	_ =	shalt  }
0x75: {  	_ =	shalt  }
0x76: {  	_ =	shalt  }
0x77: {  	_ =	shalt  }
0x78: {  	_ =	shalt  }
0x79: {  	_ =	shalt  }
0x7a: {  	_ =	shalt  }
0x7b: {  	_ =	shalt  }
0x7c: {  	_ =	shalt  }
0x7d: {  	_ =	shalt  }
0x7e: {  	_ =	shalt  }
0x7f: {  	_ =	shalt  }
0x80: {  	_ =	shalt  }
0x81: {  	_ =	shalt  }
0x82: {  	_ =	shalt  }
0x83: {  	_ =	shalt  }
0x84: {  	_ =	shalt  }
0x85: {  	_ =	shalt  }
0x86: {  	_ =	shalt  }
0x87: {  	_ =	shalt  }
.Lfunc_end0:
.L_simem_size_0:
called_computation_lowered:
.L_overlay_start_0:
0x88: {  	s2 =	sld [smem:$0x3FD9]  }
0x89: {  	s3 =	sld [smem:$0x3FFE];
	_ =	sdelay $0x1  }
0x8a: {  	s1 =	srdreg.scid  }
0x8b: {  	s0 =	sand.u32 $0x1, s1  }
0x8c: {  	s16 =	sshll.u32 s0, $0xA;
	s2 =	sadd.s32 s3, s2  }
0x8d: {  	s2 =	sadd.s32 s2, s16  }
0x8e: {  	[smem:$0x3FB3] =	sst s2  }
0x8f: {  	_ = 	snop  }
0x90: {  	(tm) =	ssettm $0x1  }
0x91: {  	s17 =	sld [smem:$0x3FFB];
	_ =	sdelay $0x3  }
0x92: {  	_ =	strace s17  }
0x93: {  	s2 =	sld [smem:$0x3FFC];
	_ =	sdelay $0x3  }
0x94: {  	_ =	strace s2  }
0x95: {  	s2 =	sld [smem:$0x3FFD];
	_ =	sdelay $0x3  }
0x96: {  	_ =	strace s2  }
0x97: {  	_ =	strace $0x8FFFFFFF  }
0x98: {  	s18 =	sld [smem:$0x3FDB];
	_ =	sdelay $0x1  }
0x99: {  	s19 =	simm.s32 $_scs_section_size  }
0x9a: {  	s4 =	simm.s32 $_size__tile_overlayer_lowered;
	s5 =	simm.s32 $_tile_overlayer_lowered  }
0x9b: {  	s22 =	simm.s32 $0x1BFF;
	s21 =	sshll.u32 s5, $0x1;
	s2 =	sadd.s32 s19, s18  }
0x9c: {  	s6 =	simm.s32 $0x0;
	s20 =	sshll.u32 s4, $0x1;
	s4 =	sadd.s32 s21, s2  }
0x9d: {  	[timem:s6], [sflag:s22] =	dma.local [hbm:s4], s20  }
0x9e: {  	_ =	swait.ge [sflag:s22], s20  }
0x9f: {  	s3 =	ssub.s32 $0x0, s20;
	[sflag:s22] =	ssyncset.done $0x0  }
0xa0: {  	[sflag:s22] =	ssyncadd.s32 s3;
	_ =	sdelay $0x1  }
0xa1: {  	s23 =	simm.s32 $0x1B8B  }
0xa2: {  	_ =	swait.ge [sflag:s23], $0x1  }
0xa3: {  	[sflag:s23] =	ssyncset.done $0x0  }
0xa4: {  	s25 =	simm.s32 $0x1B8E;
	s24 =	sld [smem:$0x3FFE];
	[sflag:s23] =	ssyncadd.s32 $0xFFFFFFFF  }
0xa5: {  	s26 =	simm.s32 $execute0_lowered;
	[smem:$0x3FD2] =	sst s25  }
0xa6: {  	s4 =	sshll.u32 s26, $0x1;
	_ =	strace $0x80000046;
	[dreg:$0x1] =	wrdreg $0xFFFFFFFF  }
0xa7: {  	s28 =	simm.s32 $_size_execute0_lowered;
	s2 =	sadd.s32 s2, s4;
	[dreg:$0x0] =	wrdreg $0x0  }
0xa8: {  	s4 =	sshll.u32 s28, $0x1;
	[dreg:$0x2] =	wrdreg s2  }
0xa9: {  	[dreg:$0x3] =	wrdreg s4  }
0xaa: {  	[dreg:$0x4] =	wrdreg $0xC0  }
0xab: {  	_ =	task [dreg:s6], $0x5FFFF  }
0xac: {  	[dreg:$0x1] =	wrdreg $0xFFFFFFFF  }
0xad: {  	[dreg:$0x0] =	wrdreg $0x60  }
0xae: {  	[dreg:$0x2] =	wrdreg s24  }
0xaf: {  	[dreg:$0x3] =	wrdreg $0xA  }
0xb0: {  	_ =	task.clear_ibuf [dreg:s6], $0x4FFFF;
	_ =	strace $0x90000046  }
0xb1: {  	s29 =	simm.s32 $0xA;
	_ =	strace $0x80000048  }
0xb2: {  	_ =	swait.ge [sflag:s29], $0x1  }
0xb3: {  	[sflag:s29] =	ssyncadd.s32 $0xFFFFFFFF  }
0xb4: {  	_ =	strace $0x90000048  }
0xb5: {  	_ =	sfence  }
0xb6: {  	s30 =	sld [smem:$0x0];
	_ =	sdelay $0x2  }
0xb7: {  	s31 =	sshll.u32 s1, $0xD;
	s1 =	sshrl.u32 s1, $0x2  }
0xb8: {  	s3 =	sand.u32 $0x4000, s31;
	s1 =	sadd.s32 s1, s30  }
0xb9: {  	s0 =	sor.u32 s3, s0;
	s1 =	sshll.u32 s1, $0x11  }
0xba: {  	s0 =	sor.u32 s1, s0  }
0xbb: {  	s0 =	sadd.s32 $0x8F2B, s0  }
0xbc: {  	[sflag:s0] =	ssyncadd.remote.s32 $0x1  }
0xbd: {  	_ =	sfence.sel $0xFFFF  }
0xbe: {  	[dreg:$0x0] =	wrdreg $0xFFFFFFFF;
	(pc) =	sbr.abs _section_cstart, $3  }
0xbf: {  	[dreg:$0x1] =	wrdreg $0xFFFFFFFF  }
0xc0: {  	_ =	task.clear_ibuf [dreg:s6], $0x2FFFF;
	_ =	strace $0x9FFFFFFF  }
0xc1: {  	(tm) =	ssettm $0x7FFFFFFF  }
tec
execute0_lowered:
.L_overlay_start_1:
0x0: {  	(tag) =	ssettag $0x1  }
0x1: {  	s0 =	rddreg [dreg:$0x0];
	s2 =	simm.s32 $0x0  }
0x2: {  	s1 =	srdreg.scid;
	s13 =	stileid.u32;
	s28 =	simm.s32 $0x1  }
0x3: {  	s29 =	simm.s32 $0x2;
	s30 =	simm.s32 $0x3;
	s31 =	simm.s32 $0x4  }
0x4: {  	[smem:$0x7FF] =	sst s2;
	s1 =	sand.u32 $0x1, s1;
	s5 =	sshll.u32 s13, $0x1  }
0x5: {  	s3 =	sadd.s32 $0x4600, s0;
	s4 =	sadd.s32 $0x2B800, s0;
	s16 =	smul.u32 $0x28000, s13  }
0x6: {  	s8 =	sadd.s32 $0x52A00, s0;
	s9 =	sadd.s32 $0x61A00, s0;
	s24 =	smul.u32 $0x2800, s13  }
0x7: {  	_ =	strace $0x80000047;
	s6 =	sor.u32 s1, s5;
	s17 =	smul.u32 $0x14000, s1  }
0x8: {  	s5 =	sadd.s32 $0x57A00, s0;
	s10 =	ssub.s32 $0x2, s1;
	s1 =	smul.u32 $0x1400, s1  }
0x9: {  	s0 =	sadd.s32 $0x2E1A00, s0;
	s7 =	smul.u32 $0x1400, s6;
	s11 =	sshrl.u32 s10, $0x1  }
0xa: {  	s6 =	smul.u32 $0xA0000, s6;
	s15 =	ssub.s32 s10, s11;
	s1 =	sadd.s32 s1, s24  }
0xb: {  	s24 =	simm.s32 $0x8180;
	s12 =	sshrl.u32 s7, $0x3;
	s7 =	sadd.s32 $0x1380, s7  }
0xc: {  	s6 =	sshrl.u32 s6, $0x3;
	s15 =	smax.u32 s15, $0x1;
	s26 =	sor.u32 $0x80, s1  }
0xd: {  	s1 =	sor.u32 $0x100, s1;
	s18 =	sadd.s32 s5, s12;
	s19 =	sadd.s32 s8, s12  }
0xe: {  	s20 =	sshrl.u32 s7, $0x3;
	s6 =	sadd.s32 $0x13000, s6;
	[dreg:$0x3] =	wrdreg s18  }
0xf: {  	s23 =	sshll.u32 s7, $0x4;
	[dreg:$0x4] =	wrdreg s19;
	s21 =	sadd.s32 s5, s20  }
0x10: {  	s10 =	sadd.s32 s8, s20;
	s22 =	sadd.s32 s9, s6;
	s6 =	sadd.s32 s0, s6  }
0x11: {  	s13 =	sadd.s32 s9, s23;
	s9 =	sadd.s32 s16, s9;
	[dreg:$0x5] =	wrdreg s21  }
0x12: {  	s14 =	sadd.s32 s0, s23;
	s0 =	sadd.s32 s16, s0;
	[dreg:$0x6] =	wrdreg s10  }
0x13: {  	s18 =	sshrl.u32 s1, $0x3;
	s19 =	simm.s32 $0x5;
	[dreg:$0x7] =	wrdreg s22  }
0x14: {  	s20 =	simm.s32 $0x80;
	s23 =	simm.s32 $0x8100;
	[dreg:$0x8] =	wrdreg s6  }
0x15: {  	s25 =	sadd.s32 s17, s9;
	s16 =	sadd.s32 s17, s0;
	s17 =	sshrl.u32 s26, $0x3  }
0x16: {  	s21 =	simm.s32 $0x100;
	s22 =	simm.s32 $0x4100;
	s26 =	simm.s32 $0xC200  }
0x17: {  	s0 =	simm.s32 $0x0;
	[dreg:$0x2] =	wrdreg s25;
	s25 =	simm.s32 $0x8200  }
.LBB2_1:
0x18: {  	s1 =	rddreg [dreg:$0x3]  }
0x19: {  	[tilespmem:s2], [sflag:$0x5] =	stream.linear.gather [hbm4b:s1+s2], $0x80, $0x38;
	[tilespmem:$0x10200] =	vst v63  }
0x1a: {  	_ =	swait.ge [sflag:s19], $0x80  }
0x1b: {  	[sflag:s19] =	ssyncset.done $0x0  }
0x1c: {  	s6 =	rddreg [dreg:$0x4];
	[sflag:s19] =	ssyncadd.s32 $0xFFFFFF80  }
0x1d: {  	[tilespmem:s20], [sflag:$0x5] =	stream.linear.gather [hbm4b:s6+s2], $0x80, $0x38;
	[tilespmem:$0x10200] =	vst v63  }
0x1e: {  	_ =	swait.ge [sflag:s19], $0x80  }
0x1f: {  	[sflag:s19] =	ssyncset.done $0x0  }
0x20: {  	[sflag:s19] =	ssyncadd.s32 $0xFFFFFF80  }
0x21: {  	[tilespmem:s21], [sflag:$0x1] =	stream.indirect.gather [hbm4b:s3+s20], $0x80, s2, s20, $0xb8;
	[tilespmem:$0x10200] =	vst v63  }
0x22: {  	_ = 	snop  }
0x23: {  	[tilespmem:s22], [sflag:$0x2] =	stream.indirect.gather [hbm4b:s4+s20], $0x80, s20, s20, $0xb8;
	[tilespmem:$0x10200] =	vst v63  }
0x24: {  	s7 =	sadd.s32 s5, s17  }
0x25: {  	[tilespmem:s23], [sflag:$0x5] =	stream.linear.gather [hbm4b:s7+s2], $0x80, $0x38;
	[tilespmem:$0x10200] =	vst v63  }
0x26: {  	_ =	swait.ge [sflag:s19], $0x80  }
0x27: {  	[sflag:s19] =	ssyncset.done $0x0  }
0x28: {  	s9 =	sadd.s32 s8, s17;
	[sflag:s19] =	ssyncadd.s32 $0xFFFFFF80  }
0x29: {  	[tilespmem:s24], [sflag:$0x5] =	stream.linear.gather [hbm4b:s9+s2], $0x80, $0x38;
	[tilespmem:$0x10200] =	vst v63  }
0x2a: {  	_ =	swait.ge [sflag:s19], $0x80  }
0x2b: {  	[sflag:s19] =	ssyncset.done $0x0  }
0x2c: {  	[sflag:s19] =	ssyncadd.s32 $0xFFFFFF80  }
0x2d: {  	[tilespmem:s25], [sflag:$0x3] =	stream.indirect.gather [hbm4b:s3+s20], $0x80, s23, s20, $0xb8;
	[tilespmem:$0x10200] =	vst v63  }
0x2e: {  	_ = 	snop  }
0x2f: {  	[tilespmem:s26], [sflag:$0x4] =	stream.indirect.gather [hbm4b:s4+s20], $0x80, s24, s20, $0xb8;
	[tilespmem:$0x10200] =	vst v63  }
0x30: {  	_ =	swait.ge [sflag:s28], $0x4000  }
0x31: {  	[sflag:s28] =	ssyncset.done $0x0  }
0x32: {  	[sflag:s28] =	ssyncadd.s32 $0xFFFFC000  }
0x33: {  	_ =	swait.ge [sflag:s29], $0x4000  }
0x34: {  	s10 =	rddreg [dreg:$0x2];
	[sflag:s29] =	ssyncset.done $0x0  }
0x35: {  	[sflag:s29] =	ssyncadd.s32 $0xFFFFC000;
	s1 =	sadd.s32 $0x0, s10  }
0x36: {  	[hbm4b:s1+s2] =	stream.linear.scatter [tilespmem:s21], [sflag:$0x5], $0x4000, $0x38;
	[tilespmem:$0x10200] =	vst v63  }
0x37: {  	_ =	swait.ge [sflag:s19], $0x4000  }
0x38: {  	[sflag:s19] =	ssyncset.done $0x0  }
0x39: {  	s6 =	sadd.s32 $0x0, s16;
	[sflag:s19] =	ssyncadd.s32 $0xFFFFC000  }
0x3a: {  	[hbm4b:s6+s2] =	stream.linear.scatter [tilespmem:s22], [sflag:$0x5], $0x4000, $0x38;
	[tilespmem:$0x10200] =	vst v63  }
0x3b: {  	_ =	swait.ge [sflag:s19], $0x4000  }
0x3c: {  	[sflag:s19] =	ssyncset.done $0x0  }
0x3d: {  	s7 =	sadd.s32 s5, s18;
	[sflag:s19] =	ssyncadd.s32 $0xFFFFC000  }
0x3e: {  	[tilespmem:s2], [sflag:$0x5] =	stream.linear.gather [hbm4b:s7+s2], $0x80, $0x38;
	[tilespmem:$0x10200] =	vst v63  }
0x3f: {  	_ =	swait.ge [sflag:s19], $0x80  }
0x40: {  	[sflag:s19] =	ssyncset.done $0x0  }
0x41: {  	s11 =	sadd.s32 s8, s18;
	[sflag:s19] =	ssyncadd.s32 $0xFFFFFF80  }
0x42: {  	[tilespmem:s20], [sflag:$0x5] =	stream.linear.gather [hbm4b:s11+s2], $0x80, $0x38;
	[tilespmem:$0x10200] =	vst v63  }
0x43: {  	_ =	swait.ge [sflag:s19], $0x80  }
0x44: {  	[sflag:s19] =	ssyncset.done $0x0  }
0x45: {  	[sflag:s19] =	ssyncadd.s32 $0xFFFFFF80  }
0x46: {  	[tilespmem:s21], [sflag:$0x1] =	stream.indirect.gather [hbm4b:s3+s20], $0x80, s2, s20, $0xb8;
	[tilespmem:$0x10200] =	vst v63  }
0x47: {  	_ = 	snop  }
0x48: {  	[tilespmem:s22], [sflag:$0x2] =	stream.indirect.gather [hbm4b:s4+s20], $0x80, s20, s20, $0xb8;
	[tilespmem:$0x10200] =	vst v63  }
0x49: {  	_ =	swait.ge [sflag:s30], $0x4000  }
0x4a: {  	[sflag:s30] =	ssyncset.done $0x0  }
0x4b: {  	[sflag:s30] =	ssyncadd.s32 $0xFFFFC000  }
0x4c: {  	_ =	swait.ge [sflag:s31], $0x4000  }
0x4d: {  	[sflag:s31] =	ssyncset.done $0x0  }
0x4e: {  	s1 =	sadd.s32 $0x800, s1;
	[sflag:s31] =	ssyncadd.s32 $0xFFFFC000  }
0x4f: {  	[hbm4b:s1+s2] =	stream.linear.scatter [tilespmem:s25], [sflag:$0x5], $0x4000, $0x38;
	[tilespmem:$0x10200] =	vst v63  }
0x50: {  	_ =	swait.ge [sflag:s19], $0x4000  }
0x51: {  	[sflag:s19] =	ssyncset.done $0x0  }
0x52: {  	s12 =	sadd.s32 $0x800, s6;
	[sflag:s19] =	ssyncadd.s32 $0xFFFFC000  }
0x53: {  	[hbm4b:s12+s2] =	stream.linear.scatter [tilespmem:s26], [sflag:$0x5], $0x4000, $0x38;
	[tilespmem:$0x10200] =	vst v63  }
0x54: {  	s9 =	simm.s32 $0x2000;
	s6 =	smov.u32 s8;
	_ =	swait.ge [sflag:s19], $0x4000  }
0x55: {  	s7 =	simm.s32 $0x1000;
	s1 =	sadd.s32 $0x20, s5;
	[sflag:s19] =	ssyncset.done $0x0  }
.LBB2_2:
0x56: {  	s10 =	sadd.s32 s1, s17;
	[sflag:s19] =	ssyncadd.s32 $0xFFFFC000  }
0x57: {  	[tilespmem:s23], [sflag:$0x5] =	stream.linear.gather [hbm4b:s10+s2], $0x80, $0x38;
	[tilespmem:$0x10200] =	vst v63  }
0x58: {  	_ =	swait.ge [sflag:s19], $0x80  }
0x59: {  	s6 =	sadd.s32 $0x20, s6;
	[sflag:s19] =	ssyncset.done $0x0  }
0x5a: {  	s12 =	sadd.s32 s6, s17;
	[sflag:s19] =	ssyncadd.s32 $0xFFFFFF80  }
0x5b: {  	[tilespmem:s24], [sflag:$0x5] =	stream.linear.gather [hbm4b:s12+s2], $0x80, $0x38;
	[tilespmem:$0x10200] =	vst v63  }
0x5c: {  	_ =	swait.ge [sflag:s19], $0x80  }
0x5d: {  	[sflag:s19] =	ssyncset.done $0x0  }
0x5e: {  	[sflag:s19] =	ssyncadd.s32 $0xFFFFFF80  }
0x5f: {  	[tilespmem:s25], [sflag:$0x3] =	stream.indirect.gather [hbm4b:s3+s20], $0x80, s23, s20, $0xb8;
	[tilespmem:$0x10200] =	vst v63  }
0x60: {  	_ = 	snop  }
0x61: {  	[tilespmem:s26], [sflag:$0x4] =	stream.indirect.gather [hbm4b:s4+s20], $0x80, s24, s20, $0xb8;
	[tilespmem:$0x10200] =	vst v63  }
0x62: {  	_ =	swait.ge [sflag:s28], $0x4000  }
0x63: {  	[sflag:s28] =	ssyncset.done $0x0  }
0x64: {  	[sflag:s28] =	ssyncadd.s32 $0xFFFFC000  }
0x65: {  	_ =	swait.ge [sflag:s29], $0x4000  }
0x66: {  	s12 =	rddreg [dreg:$0x2];
	[sflag:s29] =	ssyncset.done $0x0  }
0x67: {  	[sflag:s29] =	ssyncadd.s32 $0xFFFFC000;
	s10 =	sadd.s32 s7, s12  }
0x68: {  	[hbm4b:s10+s2] =	stream.linear.scatter [tilespmem:s21], [sflag:$0x5], $0x4000, $0x38;
	[tilespmem:$0x10200] =	vst v63  }
0x69: {  	_ =	swait.ge [sflag:s19], $0x4000  }
0x6a: {  	[sflag:s19] =	ssyncset.done $0x0  }
0x6b: {  	s12 =	sadd.s32 s7, s16;
	[sflag:s19] =	ssyncadd.s32 $0xFFFFC000  }
0x6c: {  	[hbm4b:s12+s2] =	stream.linear.scatter [tilespmem:s22], [sflag:$0x5], $0x4000, $0x38;
	[tilespmem:$0x10200] =	vst v63  }
0x6d: {  	_ =	swait.ge [sflag:s19], $0x4000  }
0x6e: {  	s11 =	smov.u32 s9;
	[sflag:s19] =	ssyncset.done $0x0  }
0x6f: {  	s7 =	smov.u32 s11;
	s11 =	sadd.s32 s1, s18;
	[sflag:s19] =	ssyncadd.s32 $0xFFFFC000  }
0x70: {  	[tilespmem:s2], [sflag:$0x5] =	stream.linear.gather [hbm4b:s11+s2], $0x80, $0x38;
	[tilespmem:$0x10200] =	vst v63  }
0x71: {  	_ =	swait.ge [sflag:s19], $0x80  }
0x72: {  	[sflag:s19] =	ssyncset.done $0x0  }
0x73: {  	s11 =	sadd.s32 s6, s18;
	[sflag:s19] =	ssyncadd.s32 $0xFFFFFF80  }
0x74: {  	[tilespmem:s20], [sflag:$0x5] =	stream.linear.gather [hbm4b:s11+s2], $0x80, $0x38;
	[tilespmem:$0x10200] =	vst v63  }
0x75: {  	_ =	swait.ge [sflag:s19], $0x80  }
0x76: {  	[sflag:s19] =	ssyncset.done $0x0  }
0x77: {  	[sflag:s19] =	ssyncadd.s32 $0xFFFFFF80  }
0x78: {  	[tilespmem:s21], [sflag:$0x1] =	stream.indirect.gather [hbm4b:s3+s20], $0x80, s2, s20, $0xb8;
	[tilespmem:$0x10200] =	vst v63  }
0x79: {  	_ = 	snop  }
0x7a: {  	[tilespmem:s22], [sflag:$0x2] =	stream.indirect.gather [hbm4b:s4+s20], $0x80, s20, s20, $0xb8;
	[tilespmem:$0x10200] =	vst v63  }
0x7b: {  	_ =	swait.ge [sflag:s30], $0x4000  }
0x7c: {  	[sflag:s30] =	ssyncset.done $0x0  }
0x7d: {  	[sflag:s30] =	ssyncadd.s32 $0xFFFFC000  }
0x7e: {  	_ =	swait.ge [sflag:s31], $0x4000  }
0x7f: {  	[sflag:s31] =	ssyncset.done $0x0  }
0x80: {  	s10 =	sadd.s32 $0x800, s10;
	[sflag:s31] =	ssyncadd.s32 $0xFFFFC000  }
0x81: {  	[hbm4b:s10+s2] =	stream.linear.scatter [tilespmem:s25], [sflag:$0x5], $0x4000, $0x38;
	[tilespmem:$0x10200] =	vst v63  }
0x82: {  	p0 =	sne.s32 s9, $0x12000;
	_ =	swait.ge [sflag:s19], $0x4000  }
.Ltmp0:
0x83: {  	[sflag:s19] =	ssyncset.done $0x0;
	(pc) =	sbr.rel @p0 .LBB2_2-.Ltmp0, $4  }
0x84: {  	s12 =	sadd.s32 $0x800, s12;
	[sflag:s19] =	ssyncadd.s32 $0xFFFFC000  }
0x85: {  	[hbm4b:s12+s2] =	stream.linear.scatter [tilespmem:s26], [sflag:$0x5], $0x4000, $0x38;
	[tilespmem:$0x10200] =	vst v63  }
0x86: {  	_ =	swait.ge [sflag:s19], $0x4000  }
0x87: {  	s9 =	sadd.s32 $0x1000, s9;
	s1 =	sadd.s32 $0x20, s1;
	[sflag:s19] =	ssyncset.done $0x0  }
0x88: {  	s9 =	sadd.s32 s1, s17;
	[sflag:s19] =	ssyncadd.s32 $0xFFFFC000  }
0x89: {  	[tilespmem:s23], [sflag:$0x5] =	stream.linear.gather [hbm4b:s9+s2], $0x80, $0x38;
	[tilespmem:$0x10200] =	vst v63  }
0x8a: {  	_ =	swait.ge [sflag:s19], $0x80  }
0x8b: {  	s6 =	sadd.s32 $0x20, s6;
	[sflag:s19] =	ssyncset.done $0x0  }
0x8c: {  	s11 =	sadd.s32 s6, s17;
	[sflag:s19] =	ssyncadd.s32 $0xFFFFFF80  }
0x8d: {  	[tilespmem:s24], [sflag:$0x5] =	stream.linear.gather [hbm4b:s11+s2], $0x80, $0x38;
	[tilespmem:$0x10200] =	vst v63  }
0x8e: {  	_ =	swait.ge [sflag:s19], $0x80  }
0x8f: {  	[sflag:s19] =	ssyncset.done $0x0  }
0x90: {  	[sflag:s19] =	ssyncadd.s32 $0xFFFFFF80  }
0x91: {  	[tilespmem:s25], [sflag:$0x3] =	stream.indirect.gather [hbm4b:s3+s20], $0x80, s23, s20, $0xb8;
	[tilespmem:$0x10200] =	vst v63  }
0x92: {  	_ = 	snop  }
0x93: {  	[tilespmem:s26], [sflag:$0x4] =	stream.indirect.gather [hbm4b:s4+s20], $0x80, s24, s20, $0xb8;
	[tilespmem:$0x10200] =	vst v63  }
0x94: {  	_ =	swait.ge [sflag:s28], $0x4000  }
0x95: {  	[sflag:s28] =	ssyncset.done $0x0  }
0x96: {  	[sflag:s28] =	ssyncadd.s32 $0xFFFFC000  }
0x97: {  	_ =	swait.ge [sflag:s29], $0x4000  }
0x98: {  	s12 =	rddreg [dreg:$0x2];
	[sflag:s29] =	ssyncset.done $0x0  }
0x99: {  	[sflag:s29] =	ssyncadd.s32 $0xFFFFC000;
	s9 =	sadd.s32 s7, s12  }
0x9a: {  	[hbm4b:s9+s2] =	stream.linear.scatter [tilespmem:s21], [sflag:$0x5], $0x4000, $0x38;
	[tilespmem:$0x10200] =	vst v63  }
0x9b: {  	_ =	swait.ge [sflag:s19], $0x4000  }
0x9c: {  	[sflag:s19] =	ssyncset.done $0x0  }
0x9d: {  	s10 =	sadd.s32 s7, s16;
	[sflag:s19] =	ssyncadd.s32 $0xFFFFC000  }
0x9e: {  	[hbm4b:s10+s2] =	stream.linear.scatter [tilespmem:s22], [sflag:$0x5], $0x4000, $0x38;
	[tilespmem:$0x10200] =	vst v63  }
0x9f: {  	_ =	swait.ge [sflag:s19], $0x4000  }
0xa0: {  	[sflag:s19] =	ssyncset.done $0x0  }
0xa1: {  	s11 =	sadd.s32 s1, s18;
	[sflag:s19] =	ssyncadd.s32 $0xFFFFC000  }
0xa2: {  	[tilespmem:s2], [sflag:$0x5] =	stream.linear.gather [hbm4b:s11+s2], $0x80, $0x38;
	[tilespmem:$0x10200] =	vst v63  }
0xa3: {  	_ =	swait.ge [sflag:s19], $0x80  }
0xa4: {  	[sflag:s19] =	ssyncset.done $0x0  }
0xa5: {  	s12 =	sadd.s32 s6, s18;
	[sflag:s19] =	ssyncadd.s32 $0xFFFFFF80  }
0xa6: {  	[tilespmem:s20], [sflag:$0x5] =	stream.linear.gather [hbm4b:s12+s2], $0x80, $0x38;
	[tilespmem:$0x10200] =	vst v63  }
0xa7: {  	_ =	swait.ge [sflag:s19], $0x80  }
0xa8: {  	[sflag:s19] =	ssyncset.done $0x0  }
0xa9: {  	[sflag:s19] =	ssyncadd.s32 $0xFFFFFF80  }
0xaa: {  	[tilespmem:s21], [sflag:$0x1] =	stream.indirect.gather [hbm4b:s3+s20], $0x80, s2, s20, $0xb8;
	[tilespmem:$0x10200] =	vst v63  }
0xab: {  	_ = 	snop  }
0xac: {  	[tilespmem:s22], [sflag:$0x2] =	stream.indirect.gather [hbm4b:s4+s20], $0x80, s20, s20, $0xb8;
	[tilespmem:$0x10200] =	vst v63  }
0xad: {  	_ =	swait.ge [sflag:s30], $0x4000  }
0xae: {  	[sflag:s30] =	ssyncset.done $0x0  }
0xaf: {  	[sflag:s30] =	ssyncadd.s32 $0xFFFFC000  }
0xb0: {  	_ =	swait.ge [sflag:s31], $0x4000  }
0xb1: {  	[sflag:s31] =	ssyncset.done $0x0  }
0xb2: {  	s6 =	sadd.s32 $0x800, s9;
	[sflag:s31] =	ssyncadd.s32 $0xFFFFC000  }
0xb3: {  	[hbm4b:s6+s2] =	stream.linear.scatter [tilespmem:s25], [sflag:$0x5], $0x4000, $0x38;
	[tilespmem:$0x10200] =	vst v63  }
0xb4: {  	_ =	swait.ge [sflag:s19], $0x4000  }
0xb5: {  	[sflag:s19] =	ssyncset.done $0x0  }
0xb6: {  	s7 =	sadd.s32 $0x800, s10;
	[sflag:s19] =	ssyncadd.s32 $0xFFFFC000  }
0xb7: {  	[hbm4b:s7+s2] =	stream.linear.scatter [tilespmem:s26], [sflag:$0x5], $0x4000, $0x38;
	[tilespmem:$0x10200] =	vst v63  }
0xb8: {  	_ =	swait.ge [sflag:s19], $0x4000  }
0xb9: {  	[sflag:s19] =	ssyncset.done $0x0  }
0xba: {  	s9 =	rddreg [dreg:$0x5];
	[sflag:s19] =	ssyncadd.s32 $0xFFFFC000  }
0xbb: {  	[tilespmem:s23], [sflag:$0x5] =	stream.linear.gather [hbm4b:s9+s2], $0x80, $0x38;
	[tilespmem:$0x10200] =	vst v63  }
0xbc: {  	_ =	swait.ge [sflag:s19], $0x80  }
0xbd: {  	[sflag:s19] =	ssyncset.done $0x0  }
0xbe: {  	s10 =	rddreg [dreg:$0x6];
	[sflag:s19] =	ssyncadd.s32 $0xFFFFFF80  }
0xbf: {  	[tilespmem:s24], [sflag:$0x5] =	stream.linear.gather [hbm4b:s10+s2], $0x80, $0x38;
	[tilespmem:$0x10200] =	vst v63  }
0xc0: {  	_ =	swait.ge [sflag:s19], $0x80  }
0xc1: {  	[sflag:s19] =	ssyncset.done $0x0  }
0xc2: {  	[sflag:s19] =	ssyncadd.s32 $0xFFFFFF80  }
0xc3: {  	[tilespmem:s25], [sflag:$0x3] =	stream.indirect.gather [hbm4b:s3+s20], $0x80, s23, s20, $0xb8;
	[tilespmem:$0x10200] =	vst v63  }
0xc4: {  	_ = 	snop  }
0xc5: {  	[tilespmem:s26], [sflag:$0x4] =	stream.indirect.gather [hbm4b:s4+s20], $0x80, s24, s20, $0xb8;
	[tilespmem:$0x10200] =	vst v63  }
0xc6: {  	_ =	swait.ge [sflag:s28], $0x4000  }
0xc7: {  	[sflag:s28] =	ssyncset.done $0x0  }
0xc8: {  	[sflag:s28] =	ssyncadd.s32 $0xFFFFC000  }
0xc9: {  	_ =	swait.ge [sflag:s29], $0x4000  }
0xca: {  	[sflag:s29] =	ssyncset.done $0x0  }
0xcb: {  	s11 =	rddreg [dreg:$0x7];
	[sflag:s29] =	ssyncadd.s32 $0xFFFFC000  }
0xcc: {  	[hbm4b:s11+s2] =	stream.linear.scatter [tilespmem:s21], [sflag:$0x5], $0x4000, $0x38;
	[tilespmem:$0x10200] =	vst v63  }
0xcd: {  	_ =	swait.ge [sflag:s19], $0x4000  }
0xce: {  	[sflag:s19] =	ssyncset.done $0x0  }
0xcf: {  	s12 =	rddreg [dreg:$0x8];
	[sflag:s19] =	ssyncadd.s32 $0xFFFFC000  }
0xd0: {  	[hbm4b:s12+s2] =	stream.linear.scatter [tilespmem:s22], [sflag:$0x5], $0x4000, $0x38;
	[tilespmem:$0x10200] =	vst v63  }
0xd1: {  	_ =	swait.ge [sflag:s19], $0x4000  }
0xd2: {  	[sflag:s19] =	ssyncset.done $0x0  }
0xd3: {  	[sflag:s19] =	ssyncadd.s32 $0xFFFFC000  }
0xd4: {  	_ =	swait.ge [sflag:s30], $0x4000  }
0xd5: {  	[sflag:s30] =	ssyncset.done $0x0  }
0xd6: {  	[sflag:s30] =	ssyncadd.s32 $0xFFFFC000  }
0xd7: {  	_ =	swait.ge [sflag:s31], $0x4000  }
0xd8: {  	[sflag:s31] =	ssyncset.done $0x0  }
0xd9: {  	[sflag:s31] =	ssyncadd.s32 $0xFFFFC000  }
0xda: {  	[hbm4b:s13+s2] =	stream.linear.scatter [tilespmem:s25], [sflag:$0x5], $0x4000, $0x38;
	[tilespmem:$0x10200] =	vst v63  }
0xdb: {  	s0 =	sadd.s32 $0x1, s0;
	_ =	swait.ge [sflag:s19], $0x4000  }
0xdc: {  	p0 =	sne.s32 s0, s15;
	[sflag:s19] =	ssyncset.done $0x0  }
.Ltmp1:
0xdd: {  	[sflag:s19] =	ssyncadd.s32 $0xFFFFC000;
	(pc) =	sbr.rel @p0 .LBB2_1-.Ltmp1, $4  }
0xde: {  	[hbm4b:s14+s2] =	stream.linear.scatter [tilespmem:s26], [sflag:$0x5], $0x4000, $0x38;
	[tilespmem:$0x10200] =	vst v63  }
0xdf: {  	_ =	swait.ge [sflag:s19], $0x4000  }
0xe0: {  	[sflag:s19] =	ssyncset.done $0x0  }
0xe1: {  	[sflag:s19] =	ssyncadd.s32 $0xFFFFC000  }
0xe2: {  	_ =	sfence.sel $0x180000  }
0xe3: {  	[bflag:$0x0] =	sbarrier.arrive $0xFFFF  }
0xe4: {  	_ =	strace $0x90000047  }
0xe5: {  	s0 =	stileid.u32;
	[bflag:$0x2] =	sbarrier.arrive $0xFFFF  }
0xe6: {  	p0 =	sne.s32 s0, $0x0;
	s0 =	rddreg [dreg:$0x1]  }
0xe7: {  	s0 =	sadd.s32 @!p0 $0x100000, s0  }
0xe8: {  	[sflag:s0] =	ssyncadd.tile.s32 @!p0 $0x1;
	_ =	shalt  }
.Lfunc_end2:
_tile_overlayer_lowered:
.L_overlay_start_2:
0xe9: {  	(tag) =	ssettag $0x2  }
0xea: {  	s0 =	rddreg [dreg:$0x0];
	s2 =	stileid.u32  }
0xeb: {  	s1 =	rddreg [dreg:$0x1];
	p0 =	sne.s32 s2, $0x0  }
0xec: {  	s3 =	rddreg [dreg:$0x2];
	[bflag:$0x3] =	sbarrier.arrive $0xFFFF;
	s2 =	simm.s32 @!p0 $0x1C05  }
0xed: {  	[timem:s3], [sflag:s2] =	dma.local @!p0 [hbm:s0], s1  }
0xee: {  	s0 =	simm.s32 @!p0 $0x5  }
0xef: {  	_ =	swait.ge @!p0 [sflag:s0], s1  }
0xf0: {  	s1 =	ssub.s32 @!p0 $0x0, s1;
	[sflag:s0] =	ssyncset.done @!p0 $0x0  }
0xf1: {  	[sflag:s0] =	ssyncadd.s32 @!p0 s1  }
0xf2: {  	[bflag:$0x3] =	sbarrier.arrive $0xFFFF  }
0xf3: {  	_ =	shalt  }

</sc_bundles>
